<compile_context>
chip_gen: v7x
topology: tpu7x:2x2x1
jax: 0.10.2.dev20260603
libtpu: 0.0.44.dev20260713+nightly
codegen_flags: <defaults>
</compile_context>

<pallas_src>
import functools

import jax
import jax.numpy as jnp
from jax import lax
from jax.experimental import pallas as pl
from jax.experimental.pallas import tpu as pltpu
from jax.experimental.pallas import tpu_sc as plsc

VOCAB = 14762
EMB = 300
SEQ = 50
TGT = 2
BATCH = 16384

NW = 32
S_PER_W = BATCH // NW
IDX_MINOR = 128
XF_PER_J = S_PER_W // IDX_MINOR


def _mm_body(tb_ref, wf_ref, bcol_ref, x_ref, v_ref, xt_ref):
    t = jnp.maximum(tb_ref[...], jnp.bfloat16(0))
    acc = lax.dot_general(wf_ref[...], t, (((1,), (1,)), ((), ())),
                          preferred_element_type=jnp.float32)
    acc = acc + bcol_ref[...]
    u0 = lax.bitcast_convert_type(
        acc[:SEQ].astype(jnp.bfloat16), jnp.uint16).astype(jnp.uint32)
    u1 = lax.bitcast_convert_type(
        acc[SEQ:].astype(jnp.bfloat16), jnp.uint16).astype(jnp.uint32)
    v_ref[...] = lax.bitcast_convert_type(u0 | (u1 << 16), jnp.int32)
    xt_ref[...] = x_ref[...].T


def _stage_a(table, wfold, bcol, x):
    vc = 4096
    grid = (BATCH + vc - 1) // vc
    return pl.pallas_call(
        _mm_body,
        grid=(grid,),
        in_specs=[
            pl.BlockSpec((vc, EMB), lambda i: (i, 0)),
            pl.BlockSpec((SEQ * TGT, EMB), lambda i: (0, 0)),
            pl.BlockSpec((SEQ * TGT, 1), lambda i: (0, 0)),
            pl.BlockSpec((vc, SEQ), lambda i: (i, 0)),
        ],
        out_specs=[
            pl.BlockSpec((SEQ, vc), lambda i: (0, i)),
            pl.BlockSpec((SEQ, vc), lambda i: (0, i)),
        ],
        out_shape=[
            jax.ShapeDtypeStruct((SEQ, VOCAB), jnp.int32),
            jax.ShapeDtypeStruct((SEQ, BATCH), jnp.int32),
        ],
    )(table, wfold, bcol, x)


BOUNCE = 5768
STAGE_CHUNK = 8 * BOUNCE
VSH_SIZE = 16 * STAGE_CHUNK


def _sc_body(v2_hbm, xt_hbm, o0_hbm, o1_hbm,
             xbuf, idxa, dst, ob0, ob1, vtmp, vsh, semg, semx):
    wid = lax.axis_index("s") * 2 + lax.axis_index("c")
    sid = lax.axis_index("s")
    base = wid * S_PER_W

    xcp = pltpu.make_async_copy(
        xt_hbm.at[:, pl.ds(base, S_PER_W)], xbuf, semx)
    xcp.start()

    def bounce(off, size):
        pltpu.sync_copy(v2_hbm.at[pl.ds(off, size)], vtmp.at[pl.ds(0, size)])
        pltpu.sync_copy(vtmp.at[pl.ds(0, size)], vsh.at[pl.ds(off, size)])

    n_full = jnp.where(sid == 15, 7, 8)

    def stage_body(k, _):
        bounce(sid * STAGE_CHUNK + k * BOUNCE, BOUNCE)
        return 0

    lax.fori_loop(0, n_full, stage_body, 0)

    @pl.when(sid == 15)
    def _():
        off = 15 * STAGE_CHUNK + 7 * BOUNCE
        bounce(off, SEQ * VOCAB - 15 * STAGE_CHUNK - 7 * BOUNCE)

    plsc.subcore_barrier()
    xcp.wait()

    def gxfer_args(j, r):
        return (vsh.at[idxa.at[lax.rem(j, 2) * XF_PER_J + r]],
                dst.at[j].at[pl.ds(r * IDX_MINOR, IDX_MINOR)],
                semg)

    def pipe_body(j, _):
        jbase = j * VOCAB
        for c in range(S_PER_W // 16):
            a = xbuf[j, pl.ds(c * 16, 16)] + jbase
            idxa[lax.rem(j, 2) * XF_PER_J + c // 8,
                 pl.ds((c % 8) * 16, 16)] = a

        for r in range(XF_PER_J):
            pltpu.async_copy(*gxfer_args(j, r))

        @pl.when(j > 0)
        def _():
            for r in range(XF_PER_J):
                pltpu.make_async_copy(*gxfer_args(j - 1, r)).wait()

        return 0

    lax.fori_loop(0, SEQ, pipe_body, 0)
    for r in range(XF_PER_J):
        pltpu.make_async_copy(*gxfer_args(SEQ - 1, r)).wait()

    zeros = jnp.zeros((16,), jnp.float32)
    himask = jnp.full((16,), -65536, jnp.int32)

    def seg_body(gi, _):
        i0 = gi * 16

        def j_body(j, accs):
            a0, a1 = accs
            w = dst[j, pl.ds(i0, 16)]
            t0 = lax.bitcast_convert_type(w << 16, jnp.float32)
            t1 = lax.bitcast_convert_type(w & himask, jnp.float32)
            return a0 + t0, a1 + t1

        acc0, acc1 = lax.fori_loop(0, SEQ, j_body, (zeros, zeros), unroll=5)
        ob0[pl.ds(i0, 16)] = acc0
        ob1[pl.ds(i0, 16)] = acc1
        return 0

    lax.fori_loop(0, S_PER_W // 16, seg_body, 0)

    pltpu.sync_copy(ob0, o0_hbm.at[pl.ds(base, S_PER_W)])
    pltpu.sync_copy(ob1, o1_hbm.at[pl.ds(base, S_PER_W)])


def _stage_b(v2, xt):
    mesh = plsc.VectorSubcoreMesh(core_axis_name="c", subcore_axis_name="s")
    fn = functools.partial(
        pl.kernel,
        mesh=mesh,
        out_type=[jax.ShapeDtypeStruct((BATCH,), jnp.float32),
                  jax.ShapeDtypeStruct((BATCH,), jnp.float32)],
        scratch_types=[
            pltpu.VMEM((SEQ, S_PER_W), jnp.int32),
            pltpu.VMEM((2 * XF_PER_J, IDX_MINOR), jnp.int32),
            pltpu.VMEM((SEQ, S_PER_W), jnp.int32),
            pltpu.VMEM((S_PER_W,), jnp.float32),
            pltpu.VMEM((S_PER_W,), jnp.float32),
            pltpu.VMEM((BOUNCE,), jnp.int32),
            pltpu.VMEM_SHARED((VSH_SIZE,), jnp.int32),
            pltpu.SemaphoreType.DMA,
            pltpu.SemaphoreType.DMA,
        ],
    )(_sc_body)
    return fn(v2, xt)


def kernel(x, table, W, b):
    wfold = W.reshape(SEQ * TGT, EMB).astype(jnp.bfloat16)
    bcol = jnp.zeros((SEQ * TGT, 1), jnp.float32)
    bcol = bcol.at[0, 0].set(b[0]).at[SEQ, 0].set(b[1])

    v2_2d, xt = _stage_a(table.astype(jnp.bfloat16), wfold, bcol,
                         x.astype(jnp.int32))
    o0, o1 = _stage_b(v2_2d.reshape(-1), xt)
    return jnp.stack([o0, o1], axis=1)

# --- scband reference (transcript-rebuilt; emitter-appended) ---
"""Pipeline reference for scband-my-model-12257836663095 (READ-ONLY COPY).

The authoritative reference and input builder live on the scoring server;
editing this copy changes nothing except your own understanding.
"""

import jax, jax.numpy as jnp
import numpy as np

VOCAB = 14762
EMB = 300
INPUT_SIZE = 50
TARGET = 2
BATCH = 16384

def setup_inputs(seed: int = 0) -> dict:
    key = jax.random.key(seed)
    k1, k2, k3, k4 = jax.random.split(key, 4)
    x = jax.random.randint(k1, (BATCH, INPUT_SIZE), 0, VOCAB, dtype=jnp.int64 if jax.config.jax_enable_x64 else jnp.int32)
    table = jax.random.normal(k2, (VOCAB, EMB), dtype=jnp.float32)
    bound = 1.0 / np.sqrt(INPUT_SIZE * EMB)
    W = jax.random.uniform(k3, (TARGET, INPUT_SIZE * EMB), minval=-bound, maxval=bound, dtype=jnp.float32)
    b = jax.random.uniform(k4, (TARGET,), minval=-bound, maxval=bound, dtype=jnp.float32)
    return {"x": x, "table": table, "W": W, "b": b}

def reference(x, table, W, b):
    x_emb = jnp.take(table, x, axis=0)              # [B, 50, 300] gather
    features = x_emb.reshape(x.shape[0], -1)        # [B, 15000]
    features = jax.nn.relu(features)
    out = features @ W.T + b                        # [B, 2]
    return out

if __name__ == "__main__":
    import jax
    _d = setup_inputs()
    print(jax.jit(kernel)(*tuple(_d.values())))

</pallas_src>

<mosaic_0001>
#map = affine_map<(d0, d1) -> (0)>
#map1 = affine_map<(d0, d1) -> (0, 0)>
module attributes {stable_mosaic.version = 14 : i64} {
  func.func @_sc_body(%arg0: i32, %arg1: i32, %arg2: memref<738100xi32, #tpu.memory_space<hbm>>, %arg3: memref<50x16384xi32, #tpu.memory_space<hbm>>, %arg4: memref<16384xf32, #tpu.memory_space<hbm>>, %arg5: memref<16384xf32, #tpu.memory_space<hbm>>, %arg6: memref<50x512xi32, #tpu.memory_space<vmem>>, %arg7: memref<8x128xi32, #tpu.memory_space<vmem>>, %arg8: memref<50x512xi32, #tpu.memory_space<vmem>>, %arg9: memref<512xf32, #tpu.memory_space<vmem>>, %arg10: memref<512xf32, #tpu.memory_space<vmem>>, %arg11: memref<5768xi32, #tpu.memory_space<vmem>>, %arg12: memref<738304xi32, #tpu.memory_space<vmem_shared>>, %arg13: memref<!tpu.dma_semaphore, #tpu.memory_space<semaphore_mem>>, %arg14: memref<!tpu.dma_semaphore, #tpu.memory_space<semaphore_mem>>) attributes {dimension_semantics = [#tpu.dimension_semantics<core_parallel>, #tpu.dimension_semantics<subcore_parallel>], iteration_bounds = array<i64: 2, 16>, scalar_prefetch = 0 : i64, scratch_operands = 9 : i64, tpu.core_type = #tpu.core_type<sc_vector_subcore>, window_params = [{transform_indices = #map}, {transform_indices = #map1}, {transform_indices = #map}, {transform_indices = #map}]} {
    %mul3A = arith.constant 2 : i32
    %mul3A_0 = arith.muli %arg1, %mul3A : i32
    %add3A = arith.addi %mul3A_0, %arg0 : i32
    %mul3A_1 = arith.constant 512 : i32
    %mul3A_2 = arith.muli %add3A, %mul3A_1 : i32
    %dma_start3A = arith.constant 0 : i32
    %dma_start3A_3 = tpu.memref_slice %arg3[%dma_start3A, %mul3A_2] : memref<50x16384xi32, #tpu.memory_space<hbm>> -> memref<50x512xi32, #tpu.memory_space<hbm>>
    %dma_start3A_4 = arith.constant 0 : i32
    %dma_start3A_5 = tpu.memref_slice %arg3[%dma_start3A_4, %mul3A_2] : memref<50x16384xi32, #tpu.memory_space<hbm>> -> memref<50x512xi32, #tpu.memory_space<hbm>>
    tpu.enqueue_dma source(%dma_start3A_5 : memref<50x512xi32, #tpu.memory_space<hbm>>) target(%arg6 : memref<50x512xi32, #tpu.memory_space<vmem>>) target_semaphore(%arg14 : memref<!tpu.dma_semaphore, #tpu.memory_space<semaphore_mem>>)
    %eq3A = arith.constant 15 : i32
    %eq3A_6 = arith.cmpi eq, %arg1, %eq3A : i32
    %jit3A = arith.constant 7 : i32
    %jit3A_7 = arith.constant 8 : i32
    %select_n3A = arith.select %eq3A_6, %jit3A, %jit3A_7 : i32
    %while3A = arith.constant 0 : i32
    %while3A_8 = arith.constant 0 : i32
    %while3A_9 = arith.subi %select_n3A, %while3A : i32
    %while3A_10 = arith.addi %while3A, %while3A_9 : i32
    %while3A_11 = arith.constant 1 : i32
    %while3A_12 = arith.divsi %while3A_9, %while3A_11 : i32
    %while3A_13 = arith.muli %while3A_12, %while3A_11 : i32
    %while3A_14 = arith.addi %while3A, %while3A_13 : i32
    %while3A_15 = arith.constant 1 : i32
    %while3A_16 = scf.for %while3A_112 = %while3A to %while3A_14 step %while3A_15 iter_args(%while3A_113 = %while3A_8) -> (i32)  : i32 {
      %mul3A_114 = arith.constant 46144 : i32
      %mul3A_115 = arith.muli %arg1, %mul3A_114 : i32
      %mul3A_116 = arith.constant 5768 : i32
      %mul3A_117 = arith.muli %while3A_112, %mul3A_116 : i32
      %add3A_118 = arith.addi %mul3A_115, %mul3A_117 : i32
      "tpu.region"() ({
        %run_scoped3A = tpu.sem_alloc : memref<!tpu.dma_semaphore, #tpu.memory_space<semaphore_mem>>
        %dma_start3A_120 = arith.constant 0 : i32
        %dma_start3A_121 = tpu.memref_slice %arg11[%dma_start3A_120] : memref<5768xi32, #tpu.memory_space<vmem>> -> memref<5768xi32, #tpu.memory_space<vmem>>
        %dma_start3A_122 = tpu.memref_slice %arg2[%add3A_118] : memref<738100xi32, #tpu.memory_space<hbm>> -> memref<5768xi32, #tpu.memory_space<hbm>>
        %dma_start3A_123 = arith.constant 0 : i32
        %dma_start3A_124 = tpu.memref_slice %arg11[%dma_start3A_123] : memref<5768xi32, #tpu.memory_space<vmem>> -> memref<5768xi32, #tpu.memory_space<vmem>>
        %dma_start3A_125 = tpu.memref_slice %arg2[%add3A_118] : memref<738100xi32, #tpu.memory_space<hbm>> -> memref<5768xi32, #tpu.memory_space<hbm>>
        tpu.enqueue_dma source(%dma_start3A_125 : memref<5768xi32, #tpu.memory_space<hbm>>) target(%dma_start3A_124 : memref<5768xi32, #tpu.memory_space<vmem>>) target_semaphore(%run_scoped3A : memref<!tpu.dma_semaphore, #tpu.memory_space<semaphore_mem>>)
        %dma_wait3A_126 = arith.constant 0 : i32
        %dma_wait3A_127 = tpu.memref_slice %arg11[%dma_wait3A_126] : memref<5768xi32, #tpu.memory_space<vmem>> -> memref<5768xi32, #tpu.memory_space<vmem>>
        %dma_wait3A_128 = tpu.memref_slice %arg2[%add3A_118] : memref<738100xi32, #tpu.memory_space<hbm>> -> memref<5768xi32, #tpu.memory_space<hbm>>
        %dma_wait3A_129 = arith.constant 0 : i32
        %dma_wait3A_130 = tpu.memref_slice %arg11[%dma_wait3A_129] : memref<5768xi32, #tpu.memory_space<vmem>> -> memref<5768xi32, #tpu.memory_space<vmem>>
        %dma_wait3A_131 = tpu.memref_slice %arg2[%add3A_118] : memref<738100xi32, #tpu.memory_space<hbm>> -> memref<5768xi32, #tpu.memory_space<hbm>>
        tpu.wait_dma2 semaphore(%run_scoped3A : memref<!tpu.dma_semaphore, #tpu.memory_space<semaphore_mem>>) src(%dma_wait3A_131 : memref<5768xi32, #tpu.memory_space<hbm>>) dst(%dma_wait3A_130 : memref<5768xi32, #tpu.memory_space<vmem>>)
        tpu.yield
      }) : () -> ()
      "tpu.region"() ({
        %run_scoped3A = tpu.sem_alloc : memref<!tpu.dma_semaphore, #tpu.memory_space<semaphore_mem>>
        %dma_start3A_120 = arith.constant 0 : i32
        %dma_start3A_121 = tpu.memref_slice %arg11[%dma_start3A_120] : memref<5768xi32, #tpu.memory_space<vmem>> -> memref<5768xi32, #tpu.memory_space<vmem>>
        %dma_start3A_122 = tpu.memref_slice %arg12[%add3A_118] : memref<738304xi32, #tpu.memory_space<vmem_shared>> -> memref<5768xi32, #tpu.memory_space<vmem_shared>>
        %dma_start3A_123 = tpu.memref_slice %arg12[%add3A_118] : memref<738304xi32, #tpu.memory_space<vmem_shared>> -> memref<5768xi32, #tpu.memory_space<vmem_shared>>
        %dma_start3A_124 = arith.constant 0 : i32
        %dma_start3A_125 = tpu.memref_slice %arg11[%dma_start3A_124] : memref<5768xi32, #tpu.memory_space<vmem>> -> memref<5768xi32, #tpu.memory_space<vmem>>
        tpu.enqueue_dma source(%dma_start3A_125 : memref<5768xi32, #tpu.memory_space<vmem>>) target(%dma_start3A_123 : memref<5768xi32, #tpu.memory_space<vmem_shared>>) target_semaphore(%run_scoped3A : memref<!tpu.dma_semaphore, #tpu.memory_space<semaphore_mem>>)
        %dma_wait3A_126 = arith.constant 0 : i32
        %dma_wait3A_127 = tpu.memref_slice %arg11[%dma_wait3A_126] : memref<5768xi32, #tpu.memory_space<vmem>> -> memref<5768xi32, #tpu.memory_space<vmem>>
        %dma_wait3A_128 = tpu.memref_slice %arg12[%add3A_118] : memref<738304xi32, #tpu.memory_space<vmem_shared>> -> memref<5768xi32, #tpu.memory_space<vmem_shared>>
        %dma_wait3A_129 = tpu.memref_slice %arg12[%add3A_118] : memref<738304xi32, #tpu.memory_space<vmem_shared>> -> memref<5768xi32, #tpu.memory_space<vmem_shared>>
        %dma_wait3A_130 = arith.constant 0 : i32
        %dma_wait3A_131 = tpu.memref_slice %arg11[%dma_wait3A_130] : memref<5768xi32, #tpu.memory_space<vmem>> -> memref<5768xi32, #tpu.memory_space<vmem>>
        tpu.wait_dma2 semaphore(%run_scoped3A : memref<!tpu.dma_semaphore, #tpu.memory_space<semaphore_mem>>) src(%dma_wait3A_131 : memref<5768xi32, #tpu.memory_space<vmem>>) dst(%dma_wait3A_129 : memref<5768xi32, #tpu.memory_space<vmem_shared>>)
        tpu.yield
      }) : () -> ()
      %while3A_119 = arith.constant 0 : i32
      scf.yield %while3A_119 : i32
    }
    %while3A_17 = arith.constant 1 : i32
    %while3A_18 = scf.for %while3A_112 = %while3A_14 to %while3A_10 step %while3A_17 iter_args(%while3A_113 = %while3A_16) -> (i32)  : i32 {
      %mul3A_114 = arith.constant 46144 : i32
      %mul3A_115 = arith.muli %arg1, %mul3A_114 : i32
      %mul3A_116 = arith.constant 5768 : i32
      %mul3A_117 = arith.muli %while3A_112, %mul3A_116 : i32
      %add3A_118 = arith.addi %mul3A_115, %mul3A_117 : i32
      "tpu.region"() ({
        %run_scoped3A = tpu.sem_alloc : memref<!tpu.dma_semaphore, #tpu.memory_space<semaphore_mem>>
        %dma_start3A_120 = arith.constant 0 : i32
        %dma_start3A_121 = tpu.memref_slice %arg11[%dma_start3A_120] : memref<5768xi32, #tpu.memory_space<vmem>> -> memref<5768xi32, #tpu.memory_space<vmem>>
        %dma_start3A_122 = tpu.memref_slice %arg2[%add3A_118] : memref<738100xi32, #tpu.memory_space<hbm>> -> memref<5768xi32, #tpu.memory_space<hbm>>
        %dma_start3A_123 = arith.constant 0 : i32
        %dma_start3A_124 = tpu.memref_slice %arg11[%dma_start3A_123] : memref<5768xi32, #tpu.memory_space<vmem>> -> memref<5768xi32, #tpu.memory_space<vmem>>
        %dma_start3A_125 = tpu.memref_slice %arg2[%add3A_118] : memref<738100xi32, #tpu.memory_space<hbm>> -> memref<5768xi32, #tpu.memory_space<hbm>>
        tpu.enqueue_dma source(%dma_start3A_125 : memref<5768xi32, #tpu.memory_space<hbm>>) target(%dma_start3A_124 : memref<5768xi32, #tpu.memory_space<vmem>>) target_semaphore(%run_scoped3A : memref<!tpu.dma_semaphore, #tpu.memory_space<semaphore_mem>>)
        %dma_wait3A_126 = arith.constant 0 : i32
        %dma_wait3A_127 = tpu.memref_slice %arg11[%dma_wait3A_126] : memref<5768xi32, #tpu.memory_space<vmem>> -> memref<5768xi32, #tpu.memory_space<vmem>>
        %dma_wait3A_128 = tpu.memref_slice %arg2[%add3A_118] : memref<738100xi32, #tpu.memory_space<hbm>> -> memref<5768xi32, #tpu.memory_space<hbm>>
        %dma_wait3A_129 = arith.constant 0 : i32
        %dma_wait3A_130 = tpu.memref_slice %arg11[%dma_wait3A_129] : memref<5768xi32, #tpu.memory_space<vmem>> -> memref<5768xi32, #tpu.memory_space<vmem>>
        %dma_wait3A_131 = tpu.memref_slice %arg2[%add3A_118] : memref<738100xi32, #tpu.memory_space<hbm>> -> memref<5768xi32, #tpu.memory_space<hbm>>
        tpu.wait_dma2 semaphore(%run_scoped3A : memref<!tpu.dma_semaphore, #tpu.memory_space<semaphore_mem>>) src(%dma_wait3A_131 : memref<5768xi32, #tpu.memory_space<hbm>>) dst(%dma_wait3A_130 : memref<5768xi32, #tpu.memory_space<vmem>>)
        tpu.yield
      }) : () -> ()
      "tpu.region"() ({
        %run_scoped3A = tpu.sem_alloc : memref<!tpu.dma_semaphore, #tpu.memory_space<semaphore_mem>>
        %dma_start3A_120 = arith.constant 0 : i32
        %dma_start3A_121 = tpu.memref_slice %arg11[%dma_start3A_120] : memref<5768xi32, #tpu.memory_space<vmem>> -> memref<5768xi32, #tpu.memory_space<vmem>>
        %dma_start3A_122 = tpu.memref_slice %arg12[%add3A_118] : memref<738304xi32, #tpu.memory_space<vmem_shared>> -> memref<5768xi32, #tpu.memory_space<vmem_shared>>
        %dma_start3A_123 = tpu.memref_slice %arg12[%add3A_118] : memref<738304xi32, #tpu.memory_space<vmem_shared>> -> memref<5768xi32, #tpu.memory_space<vmem_shared>>
        %dma_start3A_124 = arith.constant 0 : i32
        %dma_start3A_125 = tpu.memref_slice %arg11[%dma_start3A_124] : memref<5768xi32, #tpu.memory_space<vmem>> -> memref<5768xi32, #tpu.memory_space<vmem>>
        tpu.enqueue_dma source(%dma_start3A_125 : memref<5768xi32, #tpu.memory_space<vmem>>) target(%dma_start3A_123 : memref<5768xi32, #tpu.memory_space<vmem_shared>>) target_semaphore(%run_scoped3A : memref<!tpu.dma_semaphore, #tpu.memory_space<semaphore_mem>>)
        %dma_wait3A_126 = arith.constant 0 : i32
        %dma_wait3A_127 = tpu.memref_slice %arg11[%dma_wait3A_126] : memref<5768xi32, #tpu.memory_space<vmem>> -> memref<5768xi32, #tpu.memory_space<vmem>>
        %dma_wait3A_128 = tpu.memref_slice %arg12[%add3A_118] : memref<738304xi32, #tpu.memory_space<vmem_shared>> -> memref<5768xi32, #tpu.memory_space<vmem_shared>>
        %dma_wait3A_129 = tpu.memref_slice %arg12[%add3A_118] : memref<738304xi32, #tpu.memory_space<vmem_shared>> -> memref<5768xi32, #tpu.memory_space<vmem_shared>>
        %dma_wait3A_130 = arith.constant 0 : i32
        %dma_wait3A_131 = tpu.memref_slice %arg11[%dma_wait3A_130] : memref<5768xi32, #tpu.memory_space<vmem>> -> memref<5768xi32, #tpu.memory_space<vmem>>
        tpu.wait_dma2 semaphore(%run_scoped3A : memref<!tpu.dma_semaphore, #tpu.memory_space<semaphore_mem>>) src(%dma_wait3A_131 : memref<5768xi32, #tpu.memory_space<vmem>>) dst(%dma_wait3A_129 : memref<5768xi32, #tpu.memory_space<vmem_shared>>)
        tpu.yield
      }) : () -> ()
      %while3A_119 = arith.constant 0 : i32
      scf.yield %while3A_119 : i32
    }
    %eq3A_19 = arith.constant 15 : i32
    %eq3A_20 = arith.cmpi eq, %arg1, %eq3A_19 : i32
    %convert_element_type3A = arith.extui %eq3A_20 : i1 to i32
    %cond3A = arith.constant 0 : i32
    %cond3A_21 = arith.cmpi ne, %convert_element_type3A, %cond3A : i32
    scf.if %cond3A_21 {
      "tpu.region"() ({
        %run_scoped3A = tpu.sem_alloc : memref<!tpu.dma_semaphore, #tpu.memory_space<semaphore_mem>>
        %dma_start3A_112 = arith.constant 0 : i32
        %dma_start3A_113 = tpu.memref_slice %arg11[%dma_start3A_112] : memref<5768xi32, #tpu.memory_space<vmem>> -> memref<5564xi32, #tpu.memory_space<vmem>>
        %dma_start3A_114 = arith.constant 732536 : i32
        %dma_start3A_115 = tpu.memref_slice %arg2[%dma_start3A_114] : memref<738100xi32, #tpu.memory_space<hbm>> -> memref<5564xi32, #tpu.memory_space<hbm>>
        %dma_start3A_116 = arith.constant 0 : i32
        %dma_start3A_117 = tpu.memref_slice %arg11[%dma_start3A_116] : memref<5768xi32, #tpu.memory_space<vmem>> -> memref<5564xi32, #tpu.memory_space<vmem>>
        %dma_start3A_118 = arith.constant 732536 : i32
        %dma_start3A_119 = tpu.memref_slice %arg2[%dma_start3A_118] : memref<738100xi32, #tpu.memory_space<hbm>> -> memref<5564xi32, #tpu.memory_space<hbm>>
        tpu.enqueue_dma source(%dma_start3A_119 : memref<5564xi32, #tpu.memory_space<hbm>>) target(%dma_start3A_117 : memref<5564xi32, #tpu.memory_space<vmem>>) target_semaphore(%run_scoped3A : memref<!tpu.dma_semaphore, #tpu.memory_space<semaphore_mem>>)
        %dma_wait3A_120 = arith.constant 0 : i32
        %dma_wait3A_121 = tpu.memref_slice %arg11[%dma_wait3A_120] : memref<5768xi32, #tpu.memory_space<vmem>> -> memref<5564xi32, #tpu.memory_space<vmem>>
        %dma_wait3A_122 = arith.constant 732536 : i32
        %dma_wait3A_123 = tpu.memref_slice %arg2[%dma_wait3A_122] : memref<738100xi32, #tpu.memory_space<hbm>> -> memref<5564xi32, #tpu.memory_space<hbm>>
        %dma_wait3A_124 = arith.constant 0 : i32
        %dma_wait3A_125 = tpu.memref_slice %arg11[%dma_wait3A_124] : memref<5768xi32, #tpu.memory_space<vmem>> -> memref<5564xi32, #tpu.memory_space<vmem>>
        %dma_wait3A_126 = arith.constant 732536 : i32
        %dma_wait3A_127 = tpu.memref_slice %arg2[%dma_wait3A_126] : memref<738100xi32, #tpu.memory_space<hbm>> -> memref<5564xi32, #tpu.memory_space<hbm>>
        tpu.wait_dma2 semaphore(%run_scoped3A : memref<!tpu.dma_semaphore, #tpu.memory_space<semaphore_mem>>) src(%dma_wait3A_127 : memref<5564xi32, #tpu.memory_space<hbm>>) dst(%dma_wait3A_125 : memref<5564xi32, #tpu.memory_space<vmem>>)
        tpu.yield
      }) : () -> ()
      "tpu.region"() ({
        %run_scoped3A = tpu.sem_alloc : memref<!tpu.dma_semaphore, #tpu.memory_space<semaphore_mem>>
        %dma_start3A_112 = arith.constant 0 : i32
        %dma_start3A_113 = tpu.memref_slice %arg11[%dma_start3A_112] : memref<5768xi32, #tpu.memory_space<vmem>> -> memref<5564xi32, #tpu.memory_space<vmem>>
        %dma_start3A_114 = arith.constant 732536 : i32
        %dma_start3A_115 = tpu.memref_slice %arg12[%dma_start3A_114] : memref<738304xi32, #tpu.memory_space<vmem_shared>> -> memref<5564xi32, #tpu.memory_space<vmem_shared>>
        %dma_start3A_116 = arith.constant 732536 : i32
        %dma_start3A_117 = tpu.memref_slice %arg12[%dma_start3A_116] : memref<738304xi32, #tpu.memory_space<vmem_shared>> -> memref<5564xi32, #tpu.memory_space<vmem_shared>>
        %dma_start3A_118 = arith.constant 0 : i32
        %dma_start3A_119 = tpu.memref_slice %arg11[%dma_start3A_118] : memref<5768xi32, #tpu.memory_space<vmem>> -> memref<5564xi32, #tpu.memory_space<vmem>>
        tpu.enqueue_dma source(%dma_start3A_119 : memref<5564xi32, #tpu.memory_space<vmem>>) target(%dma_start3A_117 : memref<5564xi32, #tpu.memory_space<vmem_shared>>) target_semaphore(%run_scoped3A : memref<!tpu.dma_semaphore, #tpu.memory_space<semaphore_mem>>)
        %dma_wait3A_120 = arith.constant 0 : i32
        %dma_wait3A_121 = tpu.memref_slice %arg11[%dma_wait3A_120] : memref<5768xi32, #tpu.memory_space<vmem>> -> memref<5564xi32, #tpu.memory_space<vmem>>
        %dma_wait3A_122 = arith.constant 732536 : i32
        %dma_wait3A_123 = tpu.memref_slice %arg12[%dma_wait3A_122] : memref<738304xi32, #tpu.memory_space<vmem_shared>> -> memref<5564xi32, #tpu.memory_space<vmem_shared>>
        %dma_wait3A_124 = arith.constant 732536 : i32
        %dma_wait3A_125 = tpu.memref_slice %arg12[%dma_wait3A_124] : memref<738304xi32, #tpu.memory_space<vmem_shared>> -> memref<5564xi32, #tpu.memory_space<vmem_shared>>
        %dma_wait3A_126 = arith.constant 0 : i32
        %dma_wait3A_127 = tpu.memref_slice %arg11[%dma_wait3A_126] : memref<5768xi32, #tpu.memory_space<vmem>> -> memref<5564xi32, #tpu.memory_space<vmem>>
        tpu.wait_dma2 semaphore(%run_scoped3A : memref<!tpu.dma_semaphore, #tpu.memory_space<semaphore_mem>>) src(%dma_wait3A_127 : memref<5564xi32, #tpu.memory_space<vmem>>) dst(%dma_wait3A_125 : memref<5564xi32, #tpu.memory_space<vmem_shared>>)
        tpu.yield
      }) : () -> ()
    } else {
    }
    %barrier3A = arith.constant 0 : index
    tpu.barrier barrier_id(%barrier3A)
    %dma_wait3A = arith.constant 0 : i32
    %dma_wait3A_22 = tpu.memref_slice %arg3[%dma_wait3A, %mul3A_2] : memref<50x16384xi32, #tpu.memory_space<hbm>> -> memref<50x512xi32, #tpu.memory_space<hbm>>
    %dma_wait3A_23 = arith.constant 0 : i32
    %dma_wait3A_24 = tpu.memref_slice %arg3[%dma_wait3A_23, %mul3A_2] : memref<50x16384xi32, #tpu.memory_space<hbm>> -> memref<50x512xi32, #tpu.memory_space<hbm>>
    tpu.wait_dma2 semaphore(%arg14 : memref<!tpu.dma_semaphore, #tpu.memory_space<semaphore_mem>>) src(%dma_wait3A_24 : memref<50x512xi32, #tpu.memory_space<hbm>>) dst(%arg6 : memref<50x512xi32, #tpu.memory_space<vmem>>)
    %scan3A = arith.constant 0 : i32
    %scan3A_25 = arith.constant 0 : i32
    %scan3A_26 = arith.constant 50 : i32
    %scan3A_27 = arith.addi %scan3A_25, %scan3A_26 : i32
    %scan3A_28 = arith.constant 1 : i32
    %scan3A_29 = scf.for %scan3A_112 = %scan3A_25 to %scan3A_27 step %scan3A_28 iter_args(%scan3A_113 = %scan3A) -> (i32)  : i32 {
      %mul3A_114 = arith.constant 14762 : i32
      %mul3A_115 = arith.muli %scan3A_112, %mul3A_114 : i32
      %get3A = arith.index_cast %scan3A_112 : i32 to index
      %get3A_116 = arith.constant 0 : index
      %get3A_117 = tpu.vector_load %arg6[%get3A, %get3A_116] {strides = array<i32>} : memref<50x512xi32, #tpu.memory_space<vmem>>, vector<1x16xi32>,
      %get3A_118 = vector.shape_cast %get3A_117 : vector<1x16xi32> to vector<16xi32>
      %add3A_119 = vector.broadcast %mul3A_115 : i32 to vector<16xi32>
      %add3A_120 = arith.addi %get3A_118, %add3A_119 : vector<16xi32>
      %rem3A_121 = arith.constant 2 : i32
      %rem3A_122 = arith.remsi %scan3A_112, %rem3A_121 : i32
      %mul3A_123 = arith.constant 4 : i32
      %mul3A_124 = arith.muli %rem3A_122, %mul3A_123 : i32
      %add3A_125 = arith.constant 0 : i32
      %add3A_126 = arith.addi %mul3A_124, %add3A_125 : i32
      %swap3A = arith.index_cast %add3A_126 : i32 to index
      %swap3A_127 = arith.constant 0 : index
      %swap3A_128 = tpu.vector_load %arg7[%swap3A, %swap3A_127] {strides = array<i32>} : memref<8x128xi32, #tpu.memory_space<vmem>>, vector<1x16xi32>,
      %swap3A_129 = vector.shape_cast %swap3A_128 : vector<1x16xi32> to vector<16xi32>
      %swap3A_130 = vector.shape_cast %add3A_120 : vector<16xi32> to vector<1x16xi32>
      tpu.vector_store %arg7[%swap3A, %swap3A_127], %swap3A_130 {strides = array<i32>} : memref<8x128xi32, #tpu.memory_space<vmem>>, vector<1x16xi32>,
      %get3A_131 = arith.index_cast %scan3A_112 : i32 to index
      %get3A_132 = arith.constant 16 : index
      %get3A_133 = tpu.vector_load %arg6[%get3A_131, %get3A_132] {strides = array<i32>} : memref<50x512xi32, #tpu.memory_space<vmem>>, vector<1x16xi32>,
      %get3A_134 = vector.shape_cast %get3A_133 : vector<1x16xi32> to vector<16xi32>
      %add3A_135 = vector.broadcast %mul3A_115 : i32 to vector<16xi32>
      %add3A_136 = arith.addi %get3A_134, %add3A_135 : vector<16xi32>
      %rem3A_137 = arith.constant 2 : i32
      %rem3A_138 = arith.remsi %scan3A_112, %rem3A_137 : i32
      %mul3A_139 = arith.constant 4 : i32
      %mul3A_140 = arith.muli %rem3A_138, %mul3A_139 : i32
      %add3A_141 = arith.constant 0 : i32
      %add3A_142 = arith.addi %mul3A_140, %add3A_141 : i32
      %swap3A_143 = arith.index_cast %add3A_142 : i32 to index
      %swap3A_144 = arith.constant 16 : index
      %swap3A_145 = tpu.vector_load %arg7[%swap3A_143, %swap3A_144] {strides = array<i32>} : memref<8x128xi32, #tpu.memory_space<vmem>>, vector<1x16xi32>,
      %swap3A_146 = vector.shape_cast %swap3A_145 : vector<1x16xi32> to vector<16xi32>
      %swap3A_147 = vector.shape_cast %add3A_136 : vector<16xi32> to vector<1x16xi32>
      tpu.vector_store %arg7[%swap3A_143, %swap3A_144], %swap3A_147 {strides = array<i32>} : memref<8x128xi32, #tpu.memory_space<vmem>>, vector<1x16xi32>,
      %get3A_148 = arith.index_cast %scan3A_112 : i32 to index
      %get3A_149 = arith.constant 32 : index
      %get3A_150 = tpu.vector_load %arg6[%get3A_148, %get3A_149] {strides = array<i32>} : memref<50x512xi32, #tpu.memory_space<vmem>>, vector<1x16xi32>,
      %get3A_151 = vector.shape_cast %get3A_150 : vector<1x16xi32> to vector<16xi32>
      %add3A_152 = vector.broadcast %mul3A_115 : i32 to vector<16xi32>
      %add3A_153 = arith.addi %get3A_151, %add3A_152 : vector<16xi32>
      %rem3A_154 = arith.constant 2 : i32
      %rem3A_155 = arith.remsi %scan3A_112, %rem3A_154 : i32
      %mul3A_156 = arith.constant 4 : i32
      %mul3A_157 = arith.muli %rem3A_155, %mul3A_156 : i32
      %add3A_158 = arith.constant 0 : i32
      %add3A_159 = arith.addi %mul3A_157, %add3A_158 : i32
      %swap3A_160 = arith.index_cast %add3A_159 : i32 to index
      %swap3A_161 = arith.constant 32 : index
      %swap3A_162 = tpu.vector_load %arg7[%swap3A_160, %swap3A_161] {strides = array<i32>} : memref<8x128xi32, #tpu.memory_space<vmem>>, vector<1x16xi32>,
      %swap3A_163 = vector.shape_cast %swap3A_162 : vector<1x16xi32> to vector<16xi32>
      %swap3A_164 = vector.shape_cast %add3A_153 : vector<16xi32> to vector<1x16xi32>
      tpu.vector_store %arg7[%swap3A_160, %swap3A_161], %swap3A_164 {strides = array<i32>} : memref<8x128xi32, #tpu.memory_space<vmem>>, vector<1x16xi32>,
      %get3A_165 = arith.index_cast %scan3A_112 : i32 to index
      %get3A_166 = arith.constant 48 : index
      %get3A_167 = tpu.vector_load %arg6[%get3A_165, %get3A_166] {strides = array<i32>} : memref<50x512xi32, #tpu.memory_space<vmem>>, vector<1x16xi32>,
      %get3A_168 = vector.shape_cast %get3A_167 : vector<1x16xi32> to vector<16xi32>
      %add3A_169 = vector.broadcast %mul3A_115 : i32 to vector<16xi32>
      %add3A_170 = arith.addi %get3A_168, %add3A_169 : vector<16xi32>
      %rem3A_171 = arith.constant 2 : i32
      %rem3A_172 = arith.remsi %scan3A_112, %rem3A_171 : i32
      %mul3A_173 = arith.constant 4 : i32
      %mul3A_174 = arith.muli %rem3A_172, %mul3A_173 : i32
      %add3A_175 = arith.constant 0 : i32
      %add3A_176 = arith.addi %mul3A_174, %add3A_175 : i32
      %swap3A_177 = arith.index_cast %add3A_176 : i32 to index
      %swap3A_178 = arith.constant 48 : index
      %swap3A_179 = tpu.vector_load %arg7[%swap3A_177, %swap3A_178] {strides = array<i32>} : memref<8x128xi32, #tpu.memory_space<vmem>>, vector<1x16xi32>,
      %swap3A_180 = vector.shape_cast %swap3A_179 : vector<1x16xi32> to vector<16xi32>
      %swap3A_181 = vector.shape_cast %add3A_170 : vector<16xi32> to vector<1x16xi32>
      tpu.vector_store %arg7[%swap3A_177, %swap3A_178], %swap3A_181 {strides = array<i32>} : memref<8x128xi32, #tpu.memory_space<vmem>>, vector<1x16xi32>,
      %get3A_182 = arith.index_cast %scan3A_112 : i32 to index
      %get3A_183 = arith.constant 64 : index
      %get3A_184 = tpu.vector_load %arg6[%get3A_182, %get3A_183] {strides = array<i32>} : memref<50x512xi32, #tpu.memory_space<vmem>>, vector<1x16xi32>,
      %get3A_185 = vector.shape_cast %get3A_184 : vector<1x16xi32> to vector<16xi32>
      %add3A_186 = vector.broadcast %mul3A_115 : i32 to vector<16xi32>
      %add3A_187 = arith.addi %get3A_185, %add3A_186 : vector<16xi32>
      %rem3A_188 = arith.constant 2 : i32
      %rem3A_189 = arith.remsi %scan3A_112, %rem3A_188 : i32
      %mul3A_190 = arith.constant 4 : i32
      %mul3A_191 = arith.muli %rem3A_189, %mul3A_190 : i32
      %add3A_192 = arith.constant 0 : i32
      %add3A_193 = arith.addi %mul3A_191, %add3A_192 : i32
      %swap3A_194 = arith.index_cast %add3A_193 : i32 to index
      %swap3A_195 = arith.constant 64 : index
      %swap3A_196 = tpu.vector_load %arg7[%swap3A_194, %swap3A_195] {strides = array<i32>} : memref<8x128xi32, #tpu.memory_space<vmem>>, vector<1x16xi32>,
      %swap3A_197 = vector.shape_cast %swap3A_196 : vector<1x16xi32> to vector<16xi32>
      %swap3A_198 = vector.shape_cast %add3A_187 : vector<16xi32> to vector<1x16xi32>
      tpu.vector_store %arg7[%swap3A_194, %swap3A_195], %swap3A_198 {strides = array<i32>} : memref<8x128xi32, #tpu.memory_space<vmem>>, vector<1x16xi32>,
      %get3A_199 = arith.index_cast %scan3A_112 : i32 to index
      %get3A_200 = arith.constant 80 : index
      %get3A_201 = tpu.vector_load %arg6[%get3A_199, %get3A_200] {strides = array<i32>} : memref<50x512xi32, #tpu.memory_space<vmem>>, vector<1x16xi32>,
      %get3A_202 = vector.shape_cast %get3A_201 : vector<1x16xi32> to vector<16xi32>
      %add3A_203 = vector.broadcast %mul3A_115 : i32 to vector<16xi32>
      %add3A_204 = arith.addi %get3A_202, %add3A_203 : vector<16xi32>
      %rem3A_205 = arith.constant 2 : i32
      %rem3A_206 = arith.remsi %scan3A_112, %rem3A_205 : i32
      %mul3A_207 = arith.constant 4 : i32
      %mul3A_208 = arith.muli %rem3A_206, %mul3A_207 : i32
      %add3A_209 = arith.constant 0 : i32
      %add3A_210 = arith.addi %mul3A_208, %add3A_209 : i32
      %swap3A_211 = arith.index_cast %add3A_210 : i32 to index
      %swap3A_212 = arith.constant 80 : index
      %swap3A_213 = tpu.vector_load %arg7[%swap3A_211, %swap3A_212] {strides = array<i32>} : memref<8x128xi32, #tpu.memory_space<vmem>>, vector<1x16xi32>,
      %swap3A_214 = vector.shape_cast %swap3A_213 : vector<1x16xi32> to vector<16xi32>
      %swap3A_215 = vector.shape_cast %add3A_204 : vector<16xi32> to vector<1x16xi32>
      tpu.vector_store %arg7[%swap3A_211, %swap3A_212], %swap3A_215 {strides = array<i32>} : memref<8x128xi32, #tpu.memory_space<vmem>>, vector<1x16xi32>,
      %get3A_216 = arith.index_cast %scan3A_112 : i32 to index
      %get3A_217 = arith.constant 96 : index
      %get3A_218 = tpu.vector_load %arg6[%get3A_216, %get3A_217] {strides = array<i32>} : memref<50x512xi32, #tpu.memory_space<vmem>>, vector<1x16xi32>,
      %get3A_219 = vector.shape_cast %get3A_218 : vector<1x16xi32> to vector<16xi32>
      %add3A_220 = vector.broadcast %mul3A_115 : i32 to vector<16xi32>
      %add3A_221 = arith.addi %get3A_219, %add3A_220 : vector<16xi32>
      %rem3A_222 = arith.constant 2 : i32
      %rem3A_223 = arith.remsi %scan3A_112, %rem3A_222 : i32
      %mul3A_224 = arith.constant 4 : i32
      %mul3A_225 = arith.muli %rem3A_223, %mul3A_224 : i32
      %add3A_226 = arith.constant 0 : i32
      %add3A_227 = arith.addi %mul3A_225, %add3A_226 : i32
      %swap3A_228 = arith.index_cast %add3A_227 : i32 to index
      %swap3A_229 = arith.constant 96 : index
      %swap3A_230 = tpu.vector_load %arg7[%swap3A_228, %swap3A_229] {strides = array<i32>} : memref<8x128xi32, #tpu.memory_space<vmem>>, vector<1x16xi32>,
      %swap3A_231 = vector.shape_cast %swap3A_230 : vector<1x16xi32> to vector<16xi32>
      %swap3A_232 = vector.shape_cast %add3A_221 : vector<16xi32> to vector<1x16xi32>
      tpu.vector_store %arg7[%swap3A_228, %swap3A_229], %swap3A_232 {strides = array<i32>} : memref<8x128xi32, #tpu.memory_space<vmem>>, vector<1x16xi32>,
      %get3A_233 = arith.index_cast %scan3A_112 : i32 to index
      %get3A_234 = arith.constant 112 : index
      %get3A_235 = tpu.vector_load %arg6[%get3A_233, %get3A_234] {strides = array<i32>} : memref<50x512xi32, #tpu.memory_space<vmem>>, vector<1x16xi32>,
      %get3A_236 = vector.shape_cast %get3A_235 : vector<1x16xi32> to vector<16xi32>
      %add3A_237 = vector.broadcast %mul3A_115 : i32 to vector<16xi32>
      %add3A_238 = arith.addi %get3A_236, %add3A_237 : vector<16xi32>
      %rem3A_239 = arith.constant 2 : i32
      %rem3A_240 = arith.remsi %scan3A_112, %rem3A_239 : i32
      %mul3A_241 = arith.constant 4 : i32
      %mul3A_242 = arith.muli %rem3A_240, %mul3A_241 : i32
      %add3A_243 = arith.constant 0 : i32
      %add3A_244 = arith.addi %mul3A_242, %add3A_243 : i32
      %swap3A_245 = arith.index_cast %add3A_244 : i32 to index
      %swap3A_246 = arith.constant 112 : index
      %swap3A_247 = tpu.vector_load %arg7[%swap3A_245, %swap3A_246] {strides = array<i32>} : memref<8x128xi32, #tpu.memory_space<vmem>>, vector<1x16xi32>,
      %swap3A_248 = vector.shape_cast %swap3A_247 : vector<1x16xi32> to vector<16xi32>
      %swap3A_249 = vector.shape_cast %add3A_238 : vector<16xi32> to vector<1x16xi32>
      tpu.vector_store %arg7[%swap3A_245, %swap3A_246], %swap3A_249 {strides = array<i32>} : memref<8x128xi32, #tpu.memory_space<vmem>>, vector<1x16xi32>,
      %get3A_250 = arith.index_cast %scan3A_112 : i32 to index
      %get3A_251 = arith.constant 128 : index
      %get3A_252 = tpu.vector_load %arg6[%get3A_250, %get3A_251] {strides = array<i32>} : memref<50x512xi32, #tpu.memory_space<vmem>>, vector<1x16xi32>,
      %get3A_253 = vector.shape_cast %get3A_252 : vector<1x16xi32> to vector<16xi32>
      %add3A_254 = vector.broadcast %mul3A_115 : i32 to vector<16xi32>
      %add3A_255 = arith.addi %get3A_253, %add3A_254 : vector<16xi32>
      %rem3A_256 = arith.constant 2 : i32
      %rem3A_257 = arith.remsi %scan3A_112, %rem3A_256 : i32
      %mul3A_258 = arith.constant 4 : i32
      %mul3A_259 = arith.muli %rem3A_257, %mul3A_258 : i32
      %add3A_260 = arith.constant 1 : i32
      %add3A_261 = arith.addi %mul3A_259, %add3A_260 : i32
      %swap3A_262 = arith.index_cast %add3A_261 : i32 to index
      %swap3A_263 = arith.constant 0 : index
      %swap3A_264 = tpu.vector_load %arg7[%swap3A_262, %swap3A_263] {strides = array<i32>} : memref<8x128xi32, #tpu.memory_space<vmem>>, vector<1x16xi32>,
      %swap3A_265 = vector.shape_cast %swap3A_264 : vector<1x16xi32> to vector<16xi32>
      %swap3A_266 = vector.shape_cast %add3A_255 : vector<16xi32> to vector<1x16xi32>
      tpu.vector_store %arg7[%swap3A_262, %swap3A_263], %swap3A_266 {strides = array<i32>} : memref<8x128xi32, #tpu.memory_space<vmem>>, vector<1x16xi32>,
      %get3A_267 = arith.index_cast %scan3A_112 : i32 to index
      %get3A_268 = arith.constant 144 : index
      %get3A_269 = tpu.vector_load %arg6[%get3A_267, %get3A_268] {strides = array<i32>} : memref<50x512xi32, #tpu.memory_space<vmem>>, vector<1x16xi32>,
      %get3A_270 = vector.shape_cast %get3A_269 : vector<1x16xi32> to vector<16xi32>
      %add3A_271 = vector.broadcast %mul3A_115 : i32 to vector<16xi32>
      %add3A_272 = arith.addi %get3A_270, %add3A_271 : vector<16xi32>
      %rem3A_273 = arith.constant 2 : i32
      %rem3A_274 = arith.remsi %scan3A_112, %rem3A_273 : i32
      %mul3A_275 = arith.constant 4 : i32
      %mul3A_276 = arith.muli %rem3A_274, %mul3A_275 : i32
      %add3A_277 = arith.constant 1 : i32
      %add3A_278 = arith.addi %mul3A_276, %add3A_277 : i32
      %swap3A_279 = arith.index_cast %add3A_278 : i32 to index
      %swap3A_280 = arith.constant 16 : index
      %swap3A_281 = tpu.vector_load %arg7[%swap3A_279, %swap3A_280] {strides = array<i32>} : memref<8x128xi32, #tpu.memory_space<vmem>>, vector<1x16xi32>,
      %swap3A_282 = vector.shape_cast %swap3A_281 : vector<1x16xi32> to vector<16xi32>
      %swap3A_283 = vector.shape_cast %add3A_272 : vector<16xi32> to vector<1x16xi32>
      tpu.vector_store %arg7[%swap3A_279, %swap3A_280], %swap3A_283 {strides = array<i32>} : memref<8x128xi32, #tpu.memory_space<vmem>>, vector<1x16xi32>,
      %get3A_284 = arith.index_cast %scan3A_112 : i32 to index
      %get3A_285 = arith.constant 160 : index
      %get3A_286 = tpu.vector_load %arg6[%get3A_284, %get3A_285] {strides = array<i32>} : memref<50x512xi32, #tpu.memory_space<vmem>>, vector<1x16xi32>,
      %get3A_287 = vector.shape_cast %get3A_286 : vector<1x16xi32> to vector<16xi32>
      %add3A_288 = vector.broadcast %mul3A_115 : i32 to vector<16xi32>
      %add3A_289 = arith.addi %get3A_287, %add3A_288 : vector<16xi32>
      %rem3A_290 = arith.constant 2 : i32
      %rem3A_291 = arith.remsi %scan3A_112, %rem3A_290 : i32
      %mul3A_292 = arith.constant 4 : i32
      %mul3A_293 = arith.muli %rem3A_291, %mul3A_292 : i32
      %add3A_294 = arith.constant 1 : i32
      %add3A_295 = arith.addi %mul3A_293, %add3A_294 : i32
      %swap3A_296 = arith.index_cast %add3A_295 : i32 to index
      %swap3A_297 = arith.constant 32 : index
      %swap3A_298 = tpu.vector_load %arg7[%swap3A_296, %swap3A_297] {strides = array<i32>} : memref<8x128xi32, #tpu.memory_space<vmem>>, vector<1x16xi32>,
      %swap3A_299 = vector.shape_cast %swap3A_298 : vector<1x16xi32> to vector<16xi32>
      %swap3A_300 = vector.shape_cast %add3A_289 : vector<16xi32> to vector<1x16xi32>
      tpu.vector_store %arg7[%swap3A_296, %swap3A_297], %swap3A_300 {strides = array<i32>} : memref<8x128xi32, #tpu.memory_space<vmem>>, vector<1x16xi32>,
      %get3A_301 = arith.index_cast %scan3A_112 : i32 to index
      %get3A_302 = arith.constant 176 : index
      %get3A_303 = tpu.vector_load %arg6[%get3A_301, %get3A_302] {strides = array<i32>} : memref<50x512xi32, #tpu.memory_space<vmem>>, vector<1x16xi32>,
      %get3A_304 = vector.shape_cast %get3A_303 : vector<1x16xi32> to vector<16xi32>
      %add3A_305 = vector.broadcast %mul3A_115 : i32 to vector<16xi32>
      %add3A_306 = arith.addi %get3A_304, %add3A_305 : vector<16xi32>
      %rem3A_307 = arith.constant 2 : i32
      %rem3A_308 = arith.remsi %scan3A_112, %rem3A_307 : i32
      %mul3A_309 = arith.constant 4 : i32
      %mul3A_310 = arith.muli %rem3A_308, %mul3A_309 : i32
      %add3A_311 = arith.constant 1 : i32
      %add3A_312 = arith.addi %mul3A_310, %add3A_311 : i32
      %swap3A_313 = arith.index_cast %add3A_312 : i32 to index
      %swap3A_314 = arith.constant 48 : index
      %swap3A_315 = tpu.vector_load %arg7[%swap3A_313, %swap3A_314] {strides = array<i32>} : memref<8x128xi32, #tpu.memory_space<vmem>>, vector<1x16xi32>,
      %swap3A_316 = vector.shape_cast %swap3A_315 : vector<1x16xi32> to vector<16xi32>
      %swap3A_317 = vector.shape_cast %add3A_306 : vector<16xi32> to vector<1x16xi32>
      tpu.vector_store %arg7[%swap3A_313, %swap3A_314], %swap3A_317 {strides = array<i32>} : memref<8x128xi32, #tpu.memory_space<vmem>>, vector<1x16xi32>,
      %get3A_318 = arith.index_cast %scan3A_112 : i32 to index
      %get3A_319 = arith.constant 192 : index
      %get3A_320 = tpu.vector_load %arg6[%get3A_318, %get3A_319] {strides = array<i32>} : memref<50x512xi32, #tpu.memory_space<vmem>>, vector<1x16xi32>,
      %get3A_321 = vector.shape_cast %get3A_320 : vector<1x16xi32> to vector<16xi32>
      %add3A_322 = vector.broadcast %mul3A_115 : i32 to vector<16xi32>
      %add3A_323 = arith.addi %get3A_321, %add3A_322 : vector<16xi32>
      %rem3A_324 = arith.constant 2 : i32
      %rem3A_325 = arith.remsi %scan3A_112, %rem3A_324 : i32
      %mul3A_326 = arith.constant 4 : i32
      %mul3A_327 = arith.muli %rem3A_325, %mul3A_326 : i32
      %add3A_328 = arith.constant 1 : i32
      %add3A_329 = arith.addi %mul3A_327, %add3A_328 : i32
      %swap3A_330 = arith.index_cast %add3A_329 : i32 to index
      %swap3A_331 = arith.constant 64 : index
      %swap3A_332 = tpu.vector_load %arg7[%swap3A_330, %swap3A_331] {strides = array<i32>} : memref<8x128xi32, #tpu.memory_space<vmem>>, vector<1x16xi32>,
      %swap3A_333 = vector.shape_cast %swap3A_332 : vector<1x16xi32> to vector<16xi32>
      %swap3A_334 = vector.shape_cast %add3A_323 : vector<16xi32> to vector<1x16xi32>
      tpu.vector_store %arg7[%swap3A_330, %swap3A_331], %swap3A_334 {strides = array<i32>} : memref<8x128xi32, #tpu.memory_space<vmem>>, vector<1x16xi32>,
      %get3A_335 = arith.index_cast %scan3A_112 : i32 to index
      %get3A_336 = arith.constant 208 : index
      %get3A_337 = tpu.vector_load %arg6[%get3A_335, %get3A_336] {strides = array<i32>} : memref<50x512xi32, #tpu.memory_space<vmem>>, vector<1x16xi32>,
      %get3A_338 = vector.shape_cast %get3A_337 : vector<1x16xi32> to vector<16xi32>
      %add3A_339 = vector.broadcast %mul3A_115 : i32 to vector<16xi32>
      %add3A_340 = arith.addi %get3A_338, %add3A_339 : vector<16xi32>
      %rem3A_341 = arith.constant 2 : i32
      %rem3A_342 = arith.remsi %scan3A_112, %rem3A_341 : i32
      %mul3A_343 = arith.constant 4 : i32
      %mul3A_344 = arith.muli %rem3A_342, %mul3A_343 : i32
      %add3A_345 = arith.constant 1 : i32
      %add3A_346 = arith.addi %mul3A_344, %add3A_345 : i32
      %swap3A_347 = arith.index_cast %add3A_346 : i32 to index
      %swap3A_348 = arith.constant 80 : index
      %swap3A_349 = tpu.vector_load %arg7[%swap3A_347, %swap3A_348] {strides = array<i32>} : memref<8x128xi32, #tpu.memory_space<vmem>>, vector<1x16xi32>,
      %swap3A_350 = vector.shape_cast %swap3A_349 : vector<1x16xi32> to vector<16xi32>
      %swap3A_351 = vector.shape_cast %add3A_340 : vector<16xi32> to vector<1x16xi32>
      tpu.vector_store %arg7[%swap3A_347, %swap3A_348], %swap3A_351 {strides = array<i32>} : memref<8x128xi32, #tpu.memory_space<vmem>>, vector<1x16xi32>,
      %get3A_352 = arith.index_cast %scan3A_112 : i32 to index
      %get3A_353 = arith.constant 224 : index
      %get3A_354 = tpu.vector_load %arg6[%get3A_352, %get3A_353] {strides = array<i32>} : memref<50x512xi32, #tpu.memory_space<vmem>>, vector<1x16xi32>,
      %get3A_355 = vector.shape_cast %get3A_354 : vector<1x16xi32> to vector<16xi32>
      %add3A_356 = vector.broadcast %mul3A_115 : i32 to vector<16xi32>
      %add3A_357 = arith.addi %get3A_355, %add3A_356 : vector<16xi32>
      %rem3A_358 = arith.constant 2 : i32
      %rem3A_359 = arith.remsi %scan3A_112, %rem3A_358 : i32
      %mul3A_360 = arith.constant 4 : i32
      %mul3A_361 = arith.muli %rem3A_359, %mul3A_360 : i32
      %add3A_362 = arith.constant 1 : i32
      %add3A_363 = arith.addi %mul3A_361, %add3A_362 : i32
      %swap3A_364 = arith.index_cast %add3A_363 : i32 to index
      %swap3A_365 = arith.constant 96 : index
      %swap3A_366 = tpu.vector_load %arg7[%swap3A_364, %swap3A_365] {strides = array<i32>} : memref<8x128xi32, #tpu.memory_space<vmem>>, vector<1x16xi32>,
      %swap3A_367 = vector.shape_cast %swap3A_366 : vector<1x16xi32> to vector<16xi32>
      %swap3A_368 = vector.shape_cast %add3A_357 : vector<16xi32> to vector<1x16xi32>
      tpu.vector_store %arg7[%swap3A_364, %swap3A_365], %swap3A_368 {strides = array<i32>} : memref<8x128xi32, #tpu.memory_space<vmem>>, vector<1x16xi32>,
      %get3A_369 = arith.index_cast %scan3A_112 : i32 to index
      %get3A_370 = arith.constant 240 : index
      %get3A_371 = tpu.vector_load %arg6[%get3A_369, %get3A_370] {strides = array<i32>} : memref<50x512xi32, #tpu.memory_space<vmem>>, vector<1x16xi32>,
      %get3A_372 = vector.shape_cast %get3A_371 : vector<1x16xi32> to vector<16xi32>
      %add3A_373 = vector.broadcast %mul3A_115 : i32 to vector<16xi32>
      %add3A_374 = arith.addi %get3A_372, %add3A_373 : vector<16xi32>
      %rem3A_375 = arith.constant 2 : i32
      %rem3A_376 = arith.remsi %scan3A_112, %rem3A_375 : i32
      %mul3A_377 = arith.constant 4 : i32
      %mul3A_378 = arith.muli %rem3A_376, %mul3A_377 : i32
      %add3A_379 = arith.constant 1 : i32
      %add3A_380 = arith.addi %mul3A_378, %add3A_379 : i32
      %swap3A_381 = arith.index_cast %add3A_380 : i32 to index
      %swap3A_382 = arith.constant 112 : index
      %swap3A_383 = tpu.vector_load %arg7[%swap3A_381, %swap3A_382] {strides = array<i32>} : memref<8x128xi32, #tpu.memory_space<vmem>>, vector<1x16xi32>,
      %swap3A_384 = vector.shape_cast %swap3A_383 : vector<1x16xi32> to vector<16xi32>
      %swap3A_385 = vector.shape_cast %add3A_374 : vector<16xi32> to vector<1x16xi32>
      tpu.vector_store %arg7[%swap3A_381, %swap3A_382], %swap3A_385 {strides = array<i32>} : memref<8x128xi32, #tpu.memory_space<vmem>>, vector<1x16xi32>,
      %get3A_386 = arith.index_cast %scan3A_112 : i32 to index
      %get3A_387 = arith.constant 256 : index
      %get3A_388 = tpu.vector_load %arg6[%get3A_386, %get3A_387] {strides = array<i32>} : memref<50x512xi32, #tpu.memory_space<vmem>>, vector<1x16xi32>,
      %get3A_389 = vector.shape_cast %get3A_388 : vector<1x16xi32> to vector<16xi32>
      %add3A_390 = vector.broadcast %mul3A_115 : i32 to vector<16xi32>
      %add3A_391 = arith.addi %get3A_389, %add3A_390 : vector<16xi32>
      %rem3A_392 = arith.constant 2 : i32
      %rem3A_393 = arith.remsi %scan3A_112, %rem3A_392 : i32
      %mul3A_394 = arith.constant 4 : i32
      %mul3A_395 = arith.muli %rem3A_393, %mul3A_394 : i32
      %add3A_396 = arith.constant 2 : i32
      %add3A_397 = arith.addi %mul3A_395, %add3A_396 : i32
      %swap3A_398 = arith.index_cast %add3A_397 : i32 to index
      %swap3A_399 = arith.constant 0 : index
      %swap3A_400 = tpu.vector_load %arg7[%swap3A_398, %swap3A_399] {strides = array<i32>} : memref<8x128xi32, #tpu.memory_space<vmem>>, vector<1x16xi32>,
      %swap3A_401 = vector.shape_cast %swap3A_400 : vector<1x16xi32> to vector<16xi32>
      %swap3A_402 = vector.shape_cast %add3A_391 : vector<16xi32> to vector<1x16xi32>
      tpu.vector_store %arg7[%swap3A_398, %swap3A_399], %swap3A_402 {strides = array<i32>} : memref<8x128xi32, #tpu.memory_space<vmem>>, vector<1x16xi32>,
      %get3A_403 = arith.index_cast %scan3A_112 : i32 to index
      %get3A_404 = arith.constant 272 : index
      %get3A_405 = tpu.vector_load %arg6[%get3A_403, %get3A_404] {strides = array<i32>} : memref<50x512xi32, #tpu.memory_space<vmem>>, vector<1x16xi32>,
      %get3A_406 = vector.shape_cast %get3A_405 : vector<1x16xi32> to vector<16xi32>
      %add3A_407 = vector.broadcast %mul3A_115 : i32 to vector<16xi32>
      %add3A_408 = arith.addi %get3A_406, %add3A_407 : vector<16xi32>
      %rem3A_409 = arith.constant 2 : i32
      %rem3A_410 = arith.remsi %scan3A_112, %rem3A_409 : i32
      %mul3A_411 = arith.constant 4 : i32
      %mul3A_412 = arith.muli %rem3A_410, %mul3A_411 : i32
      %add3A_413 = arith.constant 2 : i32
      %add3A_414 = arith.addi %mul3A_412, %add3A_413 : i32
      %swap3A_415 = arith.index_cast %add3A_414 : i32 to index
      %swap3A_416 = arith.constant 16 : index
      %swap3A_417 = tpu.vector_load %arg7[%swap3A_415, %swap3A_416] {strides = array<i32>} : memref<8x128xi32, #tpu.memory_space<vmem>>, vector<1x16xi32>,
      %swap3A_418 = vector.shape_cast %swap3A_417 : vector<1x16xi32> to vector<16xi32>
      %swap3A_419 = vector.shape_cast %add3A_408 : vector<16xi32> to vector<1x16xi32>
      tpu.vector_store %arg7[%swap3A_415, %swap3A_416], %swap3A_419 {strides = array<i32>} : memref<8x128xi32, #tpu.memory_space<vmem>>, vector<1x16xi32>,
      %get3A_420 = arith.index_cast %scan3A_112 : i32 to index
      %get3A_421 = arith.constant 288 : index
      %get3A_422 = tpu.vector_load %arg6[%get3A_420, %get3A_421] {strides = array<i32>} : memref<50x512xi32, #tpu.memory_space<vmem>>, vector<1x16xi32>,
      %get3A_423 = vector.shape_cast %get3A_422 : vector<1x16xi32> to vector<16xi32>
      %add3A_424 = vector.broadcast %mul3A_115 : i32 to vector<16xi32>
      %add3A_425 = arith.addi %get3A_423, %add3A_424 : vector<16xi32>
      %rem3A_426 = arith.constant 2 : i32
      %rem3A_427 = arith.remsi %scan3A_112, %rem3A_426 : i32
      %mul3A_428 = arith.constant 4 : i32
      %mul3A_429 = arith.muli %rem3A_427, %mul3A_428 : i32
      %add3A_430 = arith.constant 2 : i32
      %add3A_431 = arith.addi %mul3A_429, %add3A_430 : i32
      %swap3A_432 = arith.index_cast %add3A_431 : i32 to index
      %swap3A_433 = arith.constant 32 : index
      %swap3A_434 = tpu.vector_load %arg7[%swap3A_432, %swap3A_433] {strides = array<i32>} : memref<8x128xi32, #tpu.memory_space<vmem>>, vector<1x16xi32>,
      %swap3A_435 = vector.shape_cast %swap3A_434 : vector<1x16xi32> to vector<16xi32>
      %swap3A_436 = vector.shape_cast %add3A_425 : vector<16xi32> to vector<1x16xi32>
      tpu.vector_store %arg7[%swap3A_432, %swap3A_433], %swap3A_436 {strides = array<i32>} : memref<8x128xi32, #tpu.memory_space<vmem>>, vector<1x16xi32>,
      %get3A_437 = arith.index_cast %scan3A_112 : i32 to index
      %get3A_438 = arith.constant 304 : index
      %get3A_439 = tpu.vector_load %arg6[%get3A_437, %get3A_438] {strides = array<i32>} : memref<50x512xi32, #tpu.memory_space<vmem>>, vector<1x16xi32>,
      %get3A_440 = vector.shape_cast %get3A_439 : vector<1x16xi32> to vector<16xi32>
      %add3A_441 = vector.broadcast %mul3A_115 : i32 to vector<16xi32>
      %add3A_442 = arith.addi %get3A_440, %add3A_441 : vector<16xi32>
      %rem3A_443 = arith.constant 2 : i32
      %rem3A_444 = arith.remsi %scan3A_112, %rem3A_443 : i32
      %mul3A_445 = arith.constant 4 : i32
      %mul3A_446 = arith.muli %rem3A_444, %mul3A_445 : i32
      %add3A_447 = arith.constant 2 : i32
      %add3A_448 = arith.addi %mul3A_446, %add3A_447 : i32
      %swap3A_449 = arith.index_cast %add3A_448 : i32 to index
      %swap3A_450 = arith.constant 48 : index
      %swap3A_451 = tpu.vector_load %arg7[%swap3A_449, %swap3A_450] {strides = array<i32>} : memref<8x128xi32, #tpu.memory_space<vmem>>, vector<1x16xi32>,
      %swap3A_452 = vector.shape_cast %swap3A_451 : vector<1x16xi32> to vector<16xi32>
      %swap3A_453 = vector.shape_cast %add3A_442 : vector<16xi32> to vector<1x16xi32>
      tpu.vector_store %arg7[%swap3A_449, %swap3A_450], %swap3A_453 {strides = array<i32>} : memref<8x128xi32, #tpu.memory_space<vmem>>, vector<1x16xi32>,
      %get3A_454 = arith.index_cast %scan3A_112 : i32 to index
      %get3A_455 = arith.constant 320 : index
      %get3A_456 = tpu.vector_load %arg6[%get3A_454, %get3A_455] {strides = array<i32>} : memref<50x512xi32, #tpu.memory_space<vmem>>, vector<1x16xi32>,
      %get3A_457 = vector.shape_cast %get3A_456 : vector<1x16xi32> to vector<16xi32>
      %add3A_458 = vector.broadcast %mul3A_115 : i32 to vector<16xi32>
      %add3A_459 = arith.addi %get3A_457, %add3A_458 : vector<16xi32>
      %rem3A_460 = arith.constant 2 : i32
      %rem3A_461 = arith.remsi %scan3A_112, %rem3A_460 : i32
      %mul3A_462 = arith.constant 4 : i32
      %mul3A_463 = arith.muli %rem3A_461, %mul3A_462 : i32
      %add3A_464 = arith.constant 2 : i32
      %add3A_465 = arith.addi %mul3A_463, %add3A_464 : i32
      %swap3A_466 = arith.index_cast %add3A_465 : i32 to index
      %swap3A_467 = arith.constant 64 : index
      %swap3A_468 = tpu.vector_load %arg7[%swap3A_466, %swap3A_467] {strides = array<i32>} : memref<8x128xi32, #tpu.memory_space<vmem>>, vector<1x16xi32>,
      %swap3A_469 = vector.shape_cast %swap3A_468 : vector<1x16xi32> to vector<16xi32>
      %swap3A_470 = vector.shape_cast %add3A_459 : vector<16xi32> to vector<1x16xi32>
      tpu.vector_store %arg7[%swap3A_466, %swap3A_467], %swap3A_470 {strides = array<i32>} : memref<8x128xi32, #tpu.memory_space<vmem>>, vector<1x16xi32>,
      %get3A_471 = arith.index_cast %scan3A_112 : i32 to index
      %get3A_472 = arith.constant 336 : index
      %get3A_473 = tpu.vector_load %arg6[%get3A_471, %get3A_472] {strides = array<i32>} : memref<50x512xi32, #tpu.memory_space<vmem>>, vector<1x16xi32>,
      %get3A_474 = vector.shape_cast %get3A_473 : vector<1x16xi32> to vector<16xi32>
      %add3A_475 = vector.broadcast %mul3A_115 : i32 to vector<16xi32>
      %add3A_476 = arith.addi %get3A_474, %add3A_475 : vector<16xi32>
      %rem3A_477 = arith.constant 2 : i32
      %rem3A_478 = arith.remsi %scan3A_112, %rem3A_477 : i32
      %mul3A_479 = arith.constant 4 : i32
      %mul3A_480 = arith.muli %rem3A_478, %mul3A_479 : i32
      %add3A_481 = arith.constant 2 : i32
      %add3A_482 = arith.addi %mul3A_480, %add3A_481 : i32
      %swap3A_483 = arith.index_cast %add3A_482 : i32 to index
      %swap3A_484 = arith.constant 80 : index
      %swap3A_485 = tpu.vector_load %arg7[%swap3A_483, %swap3A_484] {strides = array<i32>} : memref<8x128xi32, #tpu.memory_space<vmem>>, vector<1x16xi32>,
      %swap3A_486 = vector.shape_cast %swap3A_485 : vector<1x16xi32> to vector<16xi32>
      %swap3A_487 = vector.shape_cast %add3A_476 : vector<16xi32> to vector<1x16xi32>
      tpu.vector_store %arg7[%swap3A_483, %swap3A_484], %swap3A_487 {strides = array<i32>} : memref<8x128xi32, #tpu.memory_space<vmem>>, vector<1x16xi32>,
      %get3A_488 = arith.index_cast %scan3A_112 : i32 to index
      %get3A_489 = arith.constant 352 : index
      %get3A_490 = tpu.vector_load %arg6[%get3A_488, %get3A_489] {strides = array<i32>} : memref<50x512xi32, #tpu.memory_space<vmem>>, vector<1x16xi32>,
      %get3A_491 = vector.shape_cast %get3A_490 : vector<1x16xi32> to vector<16xi32>
      %add3A_492 = vector.broadcast %mul3A_115 : i32 to vector<16xi32>
      %add3A_493 = arith.addi %get3A_491, %add3A_492 : vector<16xi32>
      %rem3A_494 = arith.constant 2 : i32
      %rem3A_495 = arith.remsi %scan3A_112, %rem3A_494 : i32
      %mul3A_496 = arith.constant 4 : i32
      %mul3A_497 = arith.muli %rem3A_495, %mul3A_496 : i32
      %add3A_498 = arith.constant 2 : i32
      %add3A_499 = arith.addi %mul3A_497, %add3A_498 : i32
      %swap3A_500 = arith.index_cast %add3A_499 : i32 to index
      %swap3A_501 = arith.constant 96 : index
      %swap3A_502 = tpu.vector_load %arg7[%swap3A_500, %swap3A_501] {strides = array<i32>} : memref<8x128xi32, #tpu.memory_space<vmem>>, vector<1x16xi32>,
      %swap3A_503 = vector.shape_cast %swap3A_502 : vector<1x16xi32> to vector<16xi32>
      %swap3A_504 = vector.shape_cast %add3A_493 : vector<16xi32> to vector<1x16xi32>
      tpu.vector_store %arg7[%swap3A_500, %swap3A_501], %swap3A_504 {strides = array<i32>} : memref<8x128xi32, #tpu.memory_space<vmem>>, vector<1x16xi32>,
      %get3A_505 = arith.index_cast %scan3A_112 : i32 to index
      %get3A_506 = arith.constant 368 : index
      %get3A_507 = tpu.vector_load %arg6[%get3A_505, %get3A_506] {strides = array<i32>} : memref<50x512xi32, #tpu.memory_space<vmem>>, vector<1x16xi32>,
      %get3A_508 = vector.shape_cast %get3A_507 : vector<1x16xi32> to vector<16xi32>
      %add3A_509 = vector.broadcast %mul3A_115 : i32 to vector<16xi32>
      %add3A_510 = arith.addi %get3A_508, %add3A_509 : vector<16xi32>
      %rem3A_511 = arith.constant 2 : i32
      %rem3A_512 = arith.remsi %scan3A_112, %rem3A_511 : i32
      %mul3A_513 = arith.constant 4 : i32
      %mul3A_514 = arith.muli %rem3A_512, %mul3A_513 : i32
      %add3A_515 = arith.constant 2 : i32
      %add3A_516 = arith.addi %mul3A_514, %add3A_515 : i32
      %swap3A_517 = arith.index_cast %add3A_516 : i32 to index
      %swap3A_518 = arith.constant 112 : index
      %swap3A_519 = tpu.vector_load %arg7[%swap3A_517, %swap3A_518] {strides = array<i32>} : memref<8x128xi32, #tpu.memory_space<vmem>>, vector<1x16xi32>,
      %swap3A_520 = vector.shape_cast %swap3A_519 : vector<1x16xi32> to vector<16xi32>
      %swap3A_521 = vector.shape_cast %add3A_510 : vector<16xi32> to vector<1x16xi32>
      tpu.vector_store %arg7[%swap3A_517, %swap3A_518], %swap3A_521 {strides = array<i32>} : memref<8x128xi32, #tpu.memory_space<vmem>>, vector<1x16xi32>,
      %get3A_522 = arith.index_cast %scan3A_112 : i32 to index
      %get3A_523 = arith.constant 384 : index
      %get3A_524 = tpu.vector_load %arg6[%get3A_522, %get3A_523] {strides = array<i32>} : memref<50x512xi32, #tpu.memory_space<vmem>>, vector<1x16xi32>,
      %get3A_525 = vector.shape_cast %get3A_524 : vector<1x16xi32> to vector<16xi32>
      %add3A_526 = vector.broadcast %mul3A_115 : i32 to vector<16xi32>
      %add3A_527 = arith.addi %get3A_525, %add3A_526 : vector<16xi32>
      %rem3A_528 = arith.constant 2 : i32
      %rem3A_529 = arith.remsi %scan3A_112, %rem3A_528 : i32
      %mul3A_530 = arith.constant 4 : i32
      %mul3A_531 = arith.muli %rem3A_529, %mul3A_530 : i32
      %add3A_532 = arith.constant 3 : i32
      %add3A_533 = arith.addi %mul3A_531, %add3A_532 : i32
      %swap3A_534 = arith.index_cast %add3A_533 : i32 to index
      %swap3A_535 = arith.constant 0 : index
      %swap3A_536 = tpu.vector_load %arg7[%swap3A_534, %swap3A_535] {strides = array<i32>} : memref<8x128xi32, #tpu.memory_space<vmem>>, vector<1x16xi32>,
      %swap3A_537 = vector.shape_cast %swap3A_536 : vector<1x16xi32> to vector<16xi32>
      %swap3A_538 = vector.shape_cast %add3A_527 : vector<16xi32> to vector<1x16xi32>
      tpu.vector_store %arg7[%swap3A_534, %swap3A_535], %swap3A_538 {strides = array<i32>} : memref<8x128xi32, #tpu.memory_space<vmem>>, vector<1x16xi32>,
      %get3A_539 = arith.index_cast %scan3A_112 : i32 to index
      %get3A_540 = arith.constant 400 : index
      %get3A_541 = tpu.vector_load %arg6[%get3A_539, %get3A_540] {strides = array<i32>} : memref<50x512xi32, #tpu.memory_space<vmem>>, vector<1x16xi32>,
      %get3A_542 = vector.shape_cast %get3A_541 : vector<1x16xi32> to vector<16xi32>
      %add3A_543 = vector.broadcast %mul3A_115 : i32 to vector<16xi32>
      %add3A_544 = arith.addi %get3A_542, %add3A_543 : vector<16xi32>
      %rem3A_545 = arith.constant 2 : i32
      %rem3A_546 = arith.remsi %scan3A_112, %rem3A_545 : i32
      %mul3A_547 = arith.constant 4 : i32
      %mul3A_548 = arith.muli %rem3A_546, %mul3A_547 : i32
      %add3A_549 = arith.constant 3 : i32
      %add3A_550 = arith.addi %mul3A_548, %add3A_549 : i32
      %swap3A_551 = arith.index_cast %add3A_550 : i32 to index
      %swap3A_552 = arith.constant 16 : index
      %swap3A_553 = tpu.vector_load %arg7[%swap3A_551, %swap3A_552] {strides = array<i32>} : memref<8x128xi32, #tpu.memory_space<vmem>>, vector<1x16xi32>,
      %swap3A_554 = vector.shape_cast %swap3A_553 : vector<1x16xi32> to vector<16xi32>
      %swap3A_555 = vector.shape_cast %add3A_544 : vector<16xi32> to vector<1x16xi32>
      tpu.vector_store %arg7[%swap3A_551, %swap3A_552], %swap3A_555 {strides = array<i32>} : memref<8x128xi32, #tpu.memory_space<vmem>>, vector<1x16xi32>,
      %get3A_556 = arith.index_cast %scan3A_112 : i32 to index
      %get3A_557 = arith.constant 416 : index
      %get3A_558 = tpu.vector_load %arg6[%get3A_556, %get3A_557] {strides = array<i32>} : memref<50x512xi32, #tpu.memory_space<vmem>>, vector<1x16xi32>,
      %get3A_559 = vector.shape_cast %get3A_558 : vector<1x16xi32> to vector<16xi32>
      %add3A_560 = vector.broadcast %mul3A_115 : i32 to vector<16xi32>
      %add3A_561 = arith.addi %get3A_559, %add3A_560 : vector<16xi32>
      %rem3A_562 = arith.constant 2 : i32
      %rem3A_563 = arith.remsi %scan3A_112, %rem3A_562 : i32
      %mul3A_564 = arith.constant 4 : i32
      %mul3A_565 = arith.muli %rem3A_563, %mul3A_564 : i32
      %add3A_566 = arith.constant 3 : i32
      %add3A_567 = arith.addi %mul3A_565, %add3A_566 : i32
      %swap3A_568 = arith.index_cast %add3A_567 : i32 to index
      %swap3A_569 = arith.constant 32 : index
      %swap3A_570 = tpu.vector_load %arg7[%swap3A_568, %swap3A_569] {strides = array<i32>} : memref<8x128xi32, #tpu.memory_space<vmem>>, vector<1x16xi32>,
      %swap3A_571 = vector.shape_cast %swap3A_570 : vector<1x16xi32> to vector<16xi32>
      %swap3A_572 = vector.shape_cast %add3A_561 : vector<16xi32> to vector<1x16xi32>
      tpu.vector_store %arg7[%swap3A_568, %swap3A_569], %swap3A_572 {strides = array<i32>} : memref<8x128xi32, #tpu.memory_space<vmem>>, vector<1x16xi32>,
      %get3A_573 = arith.index_cast %scan3A_112 : i32 to index
      %get3A_574 = arith.constant 432 : index
      %get3A_575 = tpu.vector_load %arg6[%get3A_573, %get3A_574] {strides = array<i32>} : memref<50x512xi32, #tpu.memory_space<vmem>>, vector<1x16xi32>,
      %get3A_576 = vector.shape_cast %get3A_575 : vector<1x16xi32> to vector<16xi32>
      %add3A_577 = vector.broadcast %mul3A_115 : i32 to vector<16xi32>
      %add3A_578 = arith.addi %get3A_576, %add3A_577 : vector<16xi32>
      %rem3A_579 = arith.constant 2 : i32
      %rem3A_580 = arith.remsi %scan3A_112, %rem3A_579 : i32
      %mul3A_581 = arith.constant 4 : i32
      %mul3A_582 = arith.muli %rem3A_580, %mul3A_581 : i32
      %add3A_583 = arith.constant 3 : i32
      %add3A_584 = arith.addi %mul3A_582, %add3A_583 : i32
      %swap3A_585 = arith.index_cast %add3A_584 : i32 to index
      %swap3A_586 = arith.constant 48 : index
      %swap3A_587 = tpu.vector_load %arg7[%swap3A_585, %swap3A_586] {strides = array<i32>} : memref<8x128xi32, #tpu.memory_space<vmem>>, vector<1x16xi32>,
      %swap3A_588 = vector.shape_cast %swap3A_587 : vector<1x16xi32> to vector<16xi32>
      %swap3A_589 = vector.shape_cast %add3A_578 : vector<16xi32> to vector<1x16xi32>
      tpu.vector_store %arg7[%swap3A_585, %swap3A_586], %swap3A_589 {strides = array<i32>} : memref<8x128xi32, #tpu.memory_space<vmem>>, vector<1x16xi32>,
      %get3A_590 = arith.index_cast %scan3A_112 : i32 to index
      %get3A_591 = arith.constant 448 : index
      %get3A_592 = tpu.vector_load %arg6[%get3A_590, %get3A_591] {strides = array<i32>} : memref<50x512xi32, #tpu.memory_space<vmem>>, vector<1x16xi32>,
      %get3A_593 = vector.shape_cast %get3A_592 : vector<1x16xi32> to vector<16xi32>
      %add3A_594 = vector.broadcast %mul3A_115 : i32 to vector<16xi32>
      %add3A_595 = arith.addi %get3A_593, %add3A_594 : vector<16xi32>
      %rem3A_596 = arith.constant 2 : i32
      %rem3A_597 = arith.remsi %scan3A_112, %rem3A_596 : i32
      %mul3A_598 = arith.constant 4 : i32
      %mul3A_599 = arith.muli %rem3A_597, %mul3A_598 : i32
      %add3A_600 = arith.constant 3 : i32
      %add3A_601 = arith.addi %mul3A_599, %add3A_600 : i32
      %swap3A_602 = arith.index_cast %add3A_601 : i32 to index
      %swap3A_603 = arith.constant 64 : index
      %swap3A_604 = tpu.vector_load %arg7[%swap3A_602, %swap3A_603] {strides = array<i32>} : memref<8x128xi32, #tpu.memory_space<vmem>>, vector<1x16xi32>,
      %swap3A_605 = vector.shape_cast %swap3A_604 : vector<1x16xi32> to vector<16xi32>
      %swap3A_606 = vector.shape_cast %add3A_595 : vector<16xi32> to vector<1x16xi32>
      tpu.vector_store %arg7[%swap3A_602, %swap3A_603], %swap3A_606 {strides = array<i32>} : memref<8x128xi32, #tpu.memory_space<vmem>>, vector<1x16xi32>,
      %get3A_607 = arith.index_cast %scan3A_112 : i32 to index
      %get3A_608 = arith.constant 464 : index
      %get3A_609 = tpu.vector_load %arg6[%get3A_607, %get3A_608] {strides = array<i32>} : memref<50x512xi32, #tpu.memory_space<vmem>>, vector<1x16xi32>,
      %get3A_610 = vector.shape_cast %get3A_609 : vector<1x16xi32> to vector<16xi32>
      %add3A_611 = vector.broadcast %mul3A_115 : i32 to vector<16xi32>
      %add3A_612 = arith.addi %get3A_610, %add3A_611 : vector<16xi32>
      %rem3A_613 = arith.constant 2 : i32
      %rem3A_614 = arith.remsi %scan3A_112, %rem3A_613 : i32
      %mul3A_615 = arith.constant 4 : i32
      %mul3A_616 = arith.muli %rem3A_614, %mul3A_615 : i32
      %add3A_617 = arith.constant 3 : i32
      %add3A_618 = arith.addi %mul3A_616, %add3A_617 : i32
      %swap3A_619 = arith.index_cast %add3A_618 : i32 to index
      %swap3A_620 = arith.constant 80 : index
      %swap3A_621 = tpu.vector_load %arg7[%swap3A_619, %swap3A_620] {strides = array<i32>} : memref<8x128xi32, #tpu.memory_space<vmem>>, vector<1x16xi32>,
      %swap3A_622 = vector.shape_cast %swap3A_621 : vector<1x16xi32> to vector<16xi32>
      %swap3A_623 = vector.shape_cast %add3A_612 : vector<16xi32> to vector<1x16xi32>
      tpu.vector_store %arg7[%swap3A_619, %swap3A_620], %swap3A_623 {strides = array<i32>} : memref<8x128xi32, #tpu.memory_space<vmem>>, vector<1x16xi32>,
      %get3A_624 = arith.index_cast %scan3A_112 : i32 to index
      %get3A_625 = arith.constant 480 : index
      %get3A_626 = tpu.vector_load %arg6[%get3A_624, %get3A_625] {strides = array<i32>} : memref<50x512xi32, #tpu.memory_space<vmem>>, vector<1x16xi32>,
      %get3A_627 = vector.shape_cast %get3A_626 : vector<1x16xi32> to vector<16xi32>
      %add3A_628 = vector.broadcast %mul3A_115 : i32 to vector<16xi32>
      %add3A_629 = arith.addi %get3A_627, %add3A_628 : vector<16xi32>
      %rem3A_630 = arith.constant 2 : i32
      %rem3A_631 = arith.remsi %scan3A_112, %rem3A_630 : i32
      %mul3A_632 = arith.constant 4 : i32
      %mul3A_633 = arith.muli %rem3A_631, %mul3A_632 : i32
      %add3A_634 = arith.constant 3 : i32
      %add3A_635 = arith.addi %mul3A_633, %add3A_634 : i32
      %swap3A_636 = arith.index_cast %add3A_635 : i32 to index
      %swap3A_637 = arith.constant 96 : index
      %swap3A_638 = tpu.vector_load %arg7[%swap3A_636, %swap3A_637] {strides = array<i32>} : memref<8x128xi32, #tpu.memory_space<vmem>>, vector<1x16xi32>,
      %swap3A_639 = vector.shape_cast %swap3A_638 : vector<1x16xi32> to vector<16xi32>
      %swap3A_640 = vector.shape_cast %add3A_629 : vector<16xi32> to vector<1x16xi32>
      tpu.vector_store %arg7[%swap3A_636, %swap3A_637], %swap3A_640 {strides = array<i32>} : memref<8x128xi32, #tpu.memory_space<vmem>>, vector<1x16xi32>,
      %get3A_641 = arith.index_cast %scan3A_112 : i32 to index
      %get3A_642 = arith.constant 496 : index
      %get3A_643 = tpu.vector_load %arg6[%get3A_641, %get3A_642] {strides = array<i32>} : memref<50x512xi32, #tpu.memory_space<vmem>>, vector<1x16xi32>,
      %get3A_644 = vector.shape_cast %get3A_643 : vector<1x16xi32> to vector<16xi32>
      %add3A_645 = vector.broadcast %mul3A_115 : i32 to vector<16xi32>
      %add3A_646 = arith.addi %get3A_644, %add3A_645 : vector<16xi32>
      %rem3A_647 = arith.constant 2 : i32
      %rem3A_648 = arith.remsi %scan3A_112, %rem3A_647 : i32
      %mul3A_649 = arith.constant 4 : i32
      %mul3A_650 = arith.muli %rem3A_648, %mul3A_649 : i32
      %add3A_651 = arith.constant 3 : i32
      %add3A_652 = arith.addi %mul3A_650, %add3A_651 : i32
      %swap3A_653 = arith.index_cast %add3A_652 : i32 to index
      %swap3A_654 = arith.constant 112 : index
      %swap3A_655 = tpu.vector_load %arg7[%swap3A_653, %swap3A_654] {strides = array<i32>} : memref<8x128xi32, #tpu.memory_space<vmem>>, vector<1x16xi32>,
      %swap3A_656 = vector.shape_cast %swap3A_655 : vector<1x16xi32> to vector<16xi32>
      %swap3A_657 = vector.shape_cast %add3A_646 : vector<16xi32> to vector<1x16xi32>
      tpu.vector_store %arg7[%swap3A_653, %swap3A_654], %swap3A_657 {strides = array<i32>} : memref<8x128xi32, #tpu.memory_space<vmem>>, vector<1x16xi32>,
      %rem3A_658 = arith.constant 2 : i32
      %rem3A_659 = arith.remsi %scan3A_112, %rem3A_658 : i32
      %mul3A_660 = arith.constant 4 : i32
      %mul3A_661 = arith.muli %rem3A_659, %mul3A_660 : i32
      %add3A_662 = arith.constant 0 : i32
      %add3A_663 = arith.addi %mul3A_661, %add3A_662 : i32
      %dma_start3A_664 = arith.constant 0 : i32
      %dma_start3A_665 = tpu.memref_slice %arg8[%scan3A_112, %dma_start3A_664] : memref<50x512xi32, #tpu.memory_space<vmem>> -> memref<1x512xi32, #tpu.memory_space<vmem>>
      %dma_start3A_666 = tpu.memref_squeeze %dma_start3A_665 : memref<1x512xi32, #tpu.memory_space<vmem>> -> memref<512xi32, #tpu.memory_space<vmem>>
      %dma_start3A_667 = arith.constant 0 : i32
      %dma_start3A_668 = tpu.memref_slice %dma_start3A_666[%dma_start3A_667] : memref<512xi32, #tpu.memory_space<vmem>> -> memref<128xi32, #tpu.memory_space<vmem>>
      %dma_start3A_669 = arith.constant 0 : i32
      %dma_start3A_670 = tpu.memref_slice %arg7[%add3A_663, %dma_start3A_669] : memref<8x128xi32, #tpu.memory_space<vmem>> -> memref<1x128xi32, #tpu.memory_space<vmem>>
      %dma_start3A_671 = tpu.memref_squeeze %dma_start3A_670 : memref<1x128xi32, #tpu.memory_space<vmem>> -> memref<128xi32, #tpu.memory_space<vmem>>
      %dma_start3A_672 = arith.constant 0 : i32
      %dma_start3A_673 = tpu.memref_slice %arg12[%dma_start3A_672] : memref<738304xi32, #tpu.memory_space<vmem_shared>> -> memref<738304xi32, #tpu.memory_space<vmem_shared>>
      tpu.enqueue_indirect_dma source(%dma_start3A_673 : memref<738304xi32, #tpu.memory_space<vmem_shared>>) target(%dma_start3A_668 : memref<128xi32, #tpu.memory_space<vmem>>) offsets(%dma_start3A_671 : memref<128xi32, #tpu.memory_space<vmem>>) semaphore(%arg13 : memref<!tpu.dma_semaphore, #tpu.memory_space<semaphore_mem>>)
      %rem3A_674 = arith.constant 2 : i32
      %rem3A_675 = arith.remsi %scan3A_112, %rem3A_674 : i32
      %mul3A_676 = arith.constant 4 : i32
      %mul3A_677 = arith.muli %rem3A_675, %mul3A_676 : i32
      %add3A_678 = arith.constant 1 : i32
      %add3A_679 = arith.addi %mul3A_677, %add3A_678 : i32
      %dma_start3A_680 = arith.constant 0 : i32
      %dma_start3A_681 = tpu.memref_slice %arg8[%scan3A_112, %dma_start3A_680] : memref<50x512xi32, #tpu.memory_space<vmem>> -> memref<1x512xi32, #tpu.memory_space<vmem>>
      %dma_start3A_682 = tpu.memref_squeeze %dma_start3A_681 : memref<1x512xi32, #tpu.memory_space<vmem>> -> memref<512xi32, #tpu.memory_space<vmem>>
      %dma_start3A_683 = arith.constant 128 : i32
      %dma_start3A_684 = tpu.memref_slice %dma_start3A_682[%dma_start3A_683] : memref<512xi32, #tpu.memory_space<vmem>> -> memref<128xi32, #tpu.memory_space<vmem>>
      %dma_start3A_685 = arith.constant 0 : i32
      %dma_start3A_686 = tpu.memref_slice %arg7[%add3A_679, %dma_start3A_685] : memref<8x128xi32, #tpu.memory_space<vmem>> -> memref<1x128xi32, #tpu.memory_space<vmem>>
      %dma_start3A_687 = tpu.memref_squeeze %dma_start3A_686 : memref<1x128xi32, #tpu.memory_space<vmem>> -> memref<128xi32, #tpu.memory_space<vmem>>
      %dma_start3A_688 = arith.constant 0 : i32
      %dma_start3A_689 = tpu.memref_slice %arg12[%dma_start3A_688] : memref<738304xi32, #tpu.memory_space<vmem_shared>> -> memref<738304xi32, #tpu.memory_space<vmem_shared>>
      tpu.enqueue_indirect_dma source(%dma_start3A_689 : memref<738304xi32, #tpu.memory_space<vmem_shared>>) target(%dma_start3A_684 : memref<128xi32, #tpu.memory_space<vmem>>) offsets(%dma_start3A_687 : memref<128xi32, #tpu.memory_space<vmem>>) semaphore(%arg13 : memref<!tpu.dma_semaphore, #tpu.memory_space<semaphore_mem>>)
      %rem3A_690 = arith.constant 2 : i32
      %rem3A_691 = arith.remsi %scan3A_112, %rem3A_690 : i32
      %mul3A_692 = arith.constant 4 : i32
      %mul3A_693 = arith.muli %rem3A_691, %mul3A_692 : i32
      %add3A_694 = arith.constant 2 : i32
      %add3A_695 = arith.addi %mul3A_693, %add3A_694 : i32
      %dma_start3A_696 = arith.constant 0 : i32
      %dma_start3A_697 = tpu.memref_slice %arg8[%scan3A_112, %dma_start3A_696] : memref<50x512xi32, #tpu.memory_space<vmem>> -> memref<1x512xi32, #tpu.memory_space<vmem>>
      %dma_start3A_698 = tpu.memref_squeeze %dma_start3A_697 : memref<1x512xi32, #tpu.memory_space<vmem>> -> memref<512xi32, #tpu.memory_space<vmem>>
      %dma_start3A_699 = arith.constant 256 : i32
      %dma_start3A_700 = tpu.memref_slice %dma_start3A_698[%dma_start3A_699] : memref<512xi32, #tpu.memory_space<vmem>> -> memref<128xi32, #tpu.memory_space<vmem>>
      %dma_start3A_701 = arith.constant 0 : i32
      %dma_start3A_702 = tpu.memref_slice %arg7[%add3A_695, %dma_start3A_701] : memref<8x128xi32, #tpu.memory_space<vmem>> -> memref<1x128xi32, #tpu.memory_space<vmem>>
      %dma_start3A_703 = tpu.memref_squeeze %dma_start3A_702 : memref<1x128xi32, #tpu.memory_space<vmem>> -> memref<128xi32, #tpu.memory_space<vmem>>
      %dma_start3A_704 = arith.constant 0 : i32
      %dma_start3A_705 = tpu.memref_slice %arg12[%dma_start3A_704] : memref<738304xi32, #tpu.memory_space<vmem_shared>> -> memref<738304xi32, #tpu.memory_space<vmem_shared>>
      tpu.enqueue_indirect_dma source(%dma_start3A_705 : memref<738304xi32, #tpu.memory_space<vmem_shared>>) target(%dma_start3A_700 : memref<128xi32, #tpu.memory_space<vmem>>) offsets(%dma_start3A_703 : memref<128xi32, #tpu.memory_space<vmem>>) semaphore(%arg13 : memref<!tpu.dma_semaphore, #tpu.memory_space<semaphore_mem>>)
      %rem3A_706 = arith.constant 2 : i32
      %rem3A_707 = arith.remsi %scan3A_112, %rem3A_706 : i32
      %mul3A_708 = arith.constant 4 : i32
      %mul3A_709 = arith.muli %rem3A_707, %mul3A_708 : i32
      %add3A_710 = arith.constant 3 : i32
      %add3A_711 = arith.addi %mul3A_709, %add3A_710 : i32
      %dma_start3A_712 = arith.constant 0 : i32
      %dma_start3A_713 = tpu.memref_slice %arg8[%scan3A_112, %dma_start3A_712] : memref<50x512xi32, #tpu.memory_space<vmem>> -> memref<1x512xi32, #tpu.memory_space<vmem>>
      %dma_start3A_714 = tpu.memref_squeeze %dma_start3A_713 : memref<1x512xi32, #tpu.memory_space<vmem>> -> memref<512xi32, #tpu.memory_space<vmem>>
      %dma_start3A_715 = arith.constant 384 : i32
      %dma_start3A_716 = tpu.memref_slice %dma_start3A_714[%dma_start3A_715] : memref<512xi32, #tpu.memory_space<vmem>> -> memref<128xi32, #tpu.memory_space<vmem>>
      %dma_start3A_717 = arith.constant 0 : i32
      %dma_start3A_718 = tpu.memref_slice %arg7[%add3A_711, %dma_start3A_717] : memref<8x128xi32, #tpu.memory_space<vmem>> -> memref<1x128xi32, #tpu.memory_space<vmem>>
      %dma_start3A_719 = tpu.memref_squeeze %dma_start3A_718 : memref<1x128xi32, #tpu.memory_space<vmem>> -> memref<128xi32, #tpu.memory_space<vmem>>
      %dma_start3A_720 = arith.constant 0 : i32
      %dma_start3A_721 = tpu.memref_slice %arg12[%dma_start3A_720] : memref<738304xi32, #tpu.memory_space<vmem_shared>> -> memref<738304xi32, #tpu.memory_space<vmem_shared>>
      tpu.enqueue_indirect_dma source(%dma_start3A_721 : memref<738304xi32, #tpu.memory_space<vmem_shared>>) target(%dma_start3A_716 : memref<128xi32, #tpu.memory_space<vmem>>) offsets(%dma_start3A_719 : memref<128xi32, #tpu.memory_space<vmem>>) semaphore(%arg13 : memref<!tpu.dma_semaphore, #tpu.memory_space<semaphore_mem>>)
      %gt3A = arith.constant 0 : i32
      %gt3A_722 = arith.cmpi sgt, %scan3A_112, %gt3A : i32
      %convert_element_type3A_723 = arith.extui %gt3A_722 : i1 to i32
      %cond3A_724 = arith.constant 0 : i32
      %cond3A_725 = arith.cmpi ne, %convert_element_type3A_723, %cond3A_724 : i32
      scf.if %cond3A_725 {
        %sub3A = arith.constant 1 : i32
        %sub3A_727 = arith.subi %scan3A_112, %sub3A : i32
        %rem3A_728 = arith.constant 2 : i32
        %rem3A_729 = arith.remsi %sub3A_727, %rem3A_728 : i32
        %mul3A_730 = arith.constant 4 : i32
        %mul3A_731 = arith.muli %rem3A_729, %mul3A_730 : i32
        %add3A_732 = arith.constant 0 : i32
        %add3A_733 = arith.addi %mul3A_731, %add3A_732 : i32
        %dma_wait3A_734 = arith.constant 0 : i32
        %dma_wait3A_735 = tpu.memref_slice %arg8[%sub3A_727, %dma_wait3A_734] : memref<50x512xi32, #tpu.memory_space<vmem>> -> memref<1x512xi32, #tpu.memory_space<vmem>>
        %dma_wait3A_736 = tpu.memref_squeeze %dma_wait3A_735 : memref<1x512xi32, #tpu.memory_space<vmem>> -> memref<512xi32, #tpu.memory_space<vmem>>
        %dma_wait3A_737 = arith.constant 0 : i32
        %dma_wait3A_738 = tpu.memref_slice %dma_wait3A_736[%dma_wait3A_737] : memref<512xi32, #tpu.memory_space<vmem>> -> memref<128xi32, #tpu.memory_space<vmem>>
        %dma_wait3A_739 = arith.constant 0 : i32
        %dma_wait3A_740 = tpu.memref_slice %arg7[%add3A_733, %dma_wait3A_739] : memref<8x128xi32, #tpu.memory_space<vmem>> -> memref<1x128xi32, #tpu.memory_space<vmem>>
        %dma_wait3A_741 = tpu.memref_squeeze %dma_wait3A_740 : memref<1x128xi32, #tpu.memory_space<vmem>> -> memref<128xi32, #tpu.memory_space<vmem>>
        %dma_wait3A_742 = arith.constant 0 : i32
        %dma_wait3A_743 = tpu.memref_slice %arg12[%dma_wait3A_742] : memref<738304xi32, #tpu.memory_space<vmem_shared>> -> memref<738304xi32, #tpu.memory_space<vmem_shared>>
        tpu.wait_indirect_dma semaphore(%arg13 : memref<!tpu.dma_semaphore, #tpu.memory_space<semaphore_mem>>) src(%dma_wait3A_743 : memref<738304xi32, #tpu.memory_space<vmem_shared>>) dst(%dma_wait3A_738 : memref<128xi32, #tpu.memory_space<vmem>>)
        %sub3A_744 = arith.constant 1 : i32
        %sub3A_745 = arith.subi %scan3A_112, %sub3A_744 : i32
        %rem3A_746 = arith.constant 2 : i32
        %rem3A_747 = arith.remsi %sub3A_745, %rem3A_746 : i32
        %mul3A_748 = arith.constant 4 : i32
        %mul3A_749 = arith.muli %rem3A_747, %mul3A_748 : i32
        %add3A_750 = arith.constant 1 : i32
        %add3A_751 = arith.addi %mul3A_749, %add3A_750 : i32
        %dma_wait3A_752 = arith.constant 0 : i32
        %dma_wait3A_753 = tpu.memref_slice %arg8[%sub3A_745, %dma_wait3A_752] : memref<50x512xi32, #tpu.memory_space<vmem>> -> memref<1x512xi32, #tpu.memory_space<vmem>>
        %dma_wait3A_754 = tpu.memref_squeeze %dma_wait3A_753 : memref<1x512xi32, #tpu.memory_space<vmem>> -> memref<512xi32, #tpu.memory_space<vmem>>
        %dma_wait3A_755 = arith.constant 128 : i32
        %dma_wait3A_756 = tpu.memref_slice %dma_wait3A_754[%dma_wait3A_755] : memref<512xi32, #tpu.memory_space<vmem>> -> memref<128xi32, #tpu.memory_space<vmem>>
        %dma_wait3A_757 = arith.constant 0 : i32
        %dma_wait3A_758 = tpu.memref_slice %arg7[%add3A_751, %dma_wait3A_757] : memref<8x128xi32, #tpu.memory_space<vmem>> -> memref<1x128xi32, #tpu.memory_space<vmem>>
        %dma_wait3A_759 = tpu.memref_squeeze %dma_wait3A_758 : memref<1x128xi32, #tpu.memory_space<vmem>> -> memref<128xi32, #tpu.memory_space<vmem>>
        %dma_wait3A_760 = arith.constant 0 : i32
        %dma_wait3A_761 = tpu.memref_slice %arg12[%dma_wait3A_760] : memref<738304xi32, #tpu.memory_space<vmem_shared>> -> memref<738304xi32, #tpu.memory_space<vmem_shared>>
        tpu.wait_indirect_dma semaphore(%arg13 : memref<!tpu.dma_semaphore, #tpu.memory_space<semaphore_mem>>) src(%dma_wait3A_761 : memref<738304xi32, #tpu.memory_space<vmem_shared>>) dst(%dma_wait3A_756 : memref<128xi32, #tpu.memory_space<vmem>>)
        %sub3A_762 = arith.constant 1 : i32
        %sub3A_763 = arith.subi %scan3A_112, %sub3A_762 : i32
        %rem3A_764 = arith.constant 2 : i32
        %rem3A_765 = arith.remsi %sub3A_763, %rem3A_764 : i32
        %mul3A_766 = arith.constant 4 : i32
        %mul3A_767 = arith.muli %rem3A_765, %mul3A_766 : i32
        %add3A_768 = arith.constant 2 : i32
        %add3A_769 = arith.addi %mul3A_767, %add3A_768 : i32
        %dma_wait3A_770 = arith.constant 0 : i32
        %dma_wait3A_771 = tpu.memref_slice %arg8[%sub3A_763, %dma_wait3A_770] : memref<50x512xi32, #tpu.memory_space<vmem>> -> memref<1x512xi32, #tpu.memory_space<vmem>>
        %dma_wait3A_772 = tpu.memref_squeeze %dma_wait3A_771 : memref<1x512xi32, #tpu.memory_space<vmem>> -> memref<512xi32, #tpu.memory_space<vmem>>
        %dma_wait3A_773 = arith.constant 256 : i32
        %dma_wait3A_774 = tpu.memref_slice %dma_wait3A_772[%dma_wait3A_773] : memref<512xi32, #tpu.memory_space<vmem>> -> memref<128xi32, #tpu.memory_space<vmem>>
        %dma_wait3A_775 = arith.constant 0 : i32
        %dma_wait3A_776 = tpu.memref_slice %arg7[%add3A_769, %dma_wait3A_775] : memref<8x128xi32, #tpu.memory_space<vmem>> -> memref<1x128xi32, #tpu.memory_space<vmem>>
        %dma_wait3A_777 = tpu.memref_squeeze %dma_wait3A_776 : memref<1x128xi32, #tpu.memory_space<vmem>> -> memref<128xi32, #tpu.memory_space<vmem>>
        %dma_wait3A_778 = arith.constant 0 : i32
        %dma_wait3A_779 = tpu.memref_slice %arg12[%dma_wait3A_778] : memref<738304xi32, #tpu.memory_space<vmem_shared>> -> memref<738304xi32, #tpu.memory_space<vmem_shared>>
        tpu.wait_indirect_dma semaphore(%arg13 : memref<!tpu.dma_semaphore, #tpu.memory_space<semaphore_mem>>) src(%dma_wait3A_779 : memref<738304xi32, #tpu.memory_space<vmem_shared>>) dst(%dma_wait3A_774 : memref<128xi32, #tpu.memory_space<vmem>>)
        %sub3A_780 = arith.constant 1 : i32
        %sub3A_781 = arith.subi %scan3A_112, %sub3A_780 : i32
        %rem3A_782 = arith.constant 2 : i32
        %rem3A_783 = arith.remsi %sub3A_781, %rem3A_782 : i32
        %mul3A_784 = arith.constant 4 : i32
        %mul3A_785 = arith.muli %rem3A_783, %mul3A_784 : i32
        %add3A_786 = arith.constant 3 : i32
        %add3A_787 = arith.addi %mul3A_785, %add3A_786 : i32
        %dma_wait3A_788 = arith.constant 0 : i32
        %dma_wait3A_789 = tpu.memref_slice %arg8[%sub3A_781, %dma_wait3A_788] : memref<50x512xi32, #tpu.memory_space<vmem>> -> memref<1x512xi32, #tpu.memory_space<vmem>>
        %dma_wait3A_790 = tpu.memref_squeeze %dma_wait3A_789 : memref<1x512xi32, #tpu.memory_space<vmem>> -> memref<512xi32, #tpu.memory_space<vmem>>
        %dma_wait3A_791 = arith.constant 384 : i32
        %dma_wait3A_792 = tpu.memref_slice %dma_wait3A_790[%dma_wait3A_791] : memref<512xi32, #tpu.memory_space<vmem>> -> memref<128xi32, #tpu.memory_space<vmem>>
        %dma_wait3A_793 = arith.constant 0 : i32
        %dma_wait3A_794 = tpu.memref_slice %arg7[%add3A_787, %dma_wait3A_793] : memref<8x128xi32, #tpu.memory_space<vmem>> -> memref<1x128xi32, #tpu.memory_space<vmem>>
        %dma_wait3A_795 = tpu.memref_squeeze %dma_wait3A_794 : memref<1x128xi32, #tpu.memory_space<vmem>> -> memref<128xi32, #tpu.memory_space<vmem>>
        %dma_wait3A_796 = arith.constant 0 : i32
        %dma_wait3A_797 = tpu.memref_slice %arg12[%dma_wait3A_796] : memref<738304xi32, #tpu.memory_space<vmem_shared>> -> memref<738304xi32, #tpu.memory_space<vmem_shared>>
        tpu.wait_indirect_dma semaphore(%arg13 : memref<!tpu.dma_semaphore, #tpu.memory_space<semaphore_mem>>) src(%dma_wait3A_797 : memref<738304xi32, #tpu.memory_space<vmem_shared>>) dst(%dma_wait3A_792 : memref<128xi32, #tpu.memory_space<vmem>>)
      } else {
      }
      %scan3A_726 = arith.constant 0 : i32
      scf.yield %scan3A_726 : i32
    }
    %scan3A_30 = arith.constant 50 : i32
    %rem3A = arith.constant 49 : i32
    %rem3A_31 = arith.constant 2 : i32
    %rem3A_32 = arith.remsi %rem3A, %rem3A_31 : i32
    %mul3A_33 = arith.constant 4 : i32
    %mul3A_34 = arith.muli %rem3A_32, %mul3A_33 : i32
    %add3A_35 = arith.constant 0 : i32
    %add3A_36 = arith.addi %mul3A_34, %add3A_35 : i32
    %dma_wait3A_37 = arith.constant 49 : i32
    %dma_wait3A_38 = arith.constant 0 : i32
    %dma_wait3A_39 = tpu.memref_slice %arg8[%dma_wait3A_37, %dma_wait3A_38] : memref<50x512xi32, #tpu.memory_space<vmem>> -> memref<1x512xi32, #tpu.memory_space<vmem>>
    %dma_wait3A_40 = tpu.memref_squeeze %dma_wait3A_39 : memref<1x512xi32, #tpu.memory_space<vmem>> -> memref<512xi32, #tpu.memory_space<vmem>>
    %dma_wait3A_41 = arith.constant 0 : i32
    %dma_wait3A_42 = tpu.memref_slice %dma_wait3A_40[%dma_wait3A_41] : memref<512xi32, #tpu.memory_space<vmem>> -> memref<128xi32, #tpu.memory_space<vmem>>
    %dma_wait3A_43 = arith.constant 0 : i32
    %dma_wait3A_44 = tpu.memref_slice %arg7[%add3A_36, %dma_wait3A_43] : memref<8x128xi32, #tpu.memory_space<vmem>> -> memref<1x128xi32, #tpu.memory_space<vmem>>
    %dma_wait3A_45 = tpu.memref_squeeze %dma_wait3A_44 : memref<1x128xi32, #tpu.memory_space<vmem>> -> memref<128xi32, #tpu.memory_space<vmem>>
    %dma_wait3A_46 = arith.constant 0 : i32
    %dma_wait3A_47 = tpu.memref_slice %arg12[%dma_wait3A_46] : memref<738304xi32, #tpu.memory_space<vmem_shared>> -> memref<738304xi32, #tpu.memory_space<vmem_shared>>
    tpu.wait_indirect_dma semaphore(%arg13 : memref<!tpu.dma_semaphore, #tpu.memory_space<semaphore_mem>>) src(%dma_wait3A_47 : memref<738304xi32, #tpu.memory_space<vmem_shared>>) dst(%dma_wait3A_42 : memref<128xi32, #tpu.memory_space<vmem>>)
    %rem3A_48 = arith.constant 49 : i32
    %rem3A_49 = arith.constant 2 : i32
    %rem3A_50 = arith.remsi %rem3A_48, %rem3A_49 : i32
    %mul3A_51 = arith.constant 4 : i32
    %mul3A_52 = arith.muli %rem3A_50, %mul3A_51 : i32
    %add3A_53 = arith.constant 1 : i32
    %add3A_54 = arith.addi %mul3A_52, %add3A_53 : i32
    %dma_wait3A_55 = arith.constant 49 : i32
    %dma_wait3A_56 = arith.constant 0 : i32
    %dma_wait3A_57 = tpu.memref_slice %arg8[%dma_wait3A_55, %dma_wait3A_56] : memref<50x512xi32, #tpu.memory_space<vmem>> -> memref<1x512xi32, #tpu.memory_space<vmem>>
    %dma_wait3A_58 = tpu.memref_squeeze %dma_wait3A_57 : memref<1x512xi32, #tpu.memory_space<vmem>> -> memref<512xi32, #tpu.memory_space<vmem>>
    %dma_wait3A_59 = arith.constant 128 : i32
    %dma_wait3A_60 = tpu.memref_slice %dma_wait3A_58[%dma_wait3A_59] : memref<512xi32, #tpu.memory_space<vmem>> -> memref<128xi32, #tpu.memory_space<vmem>>
    %dma_wait3A_61 = arith.constant 0 : i32
    %dma_wait3A_62 = tpu.memref_slice %arg7[%add3A_54, %dma_wait3A_61] : memref<8x128xi32, #tpu.memory_space<vmem>> -> memref<1x128xi32, #tpu.memory_space<vmem>>
    %dma_wait3A_63 = tpu.memref_squeeze %dma_wait3A_62 : memref<1x128xi32, #tpu.memory_space<vmem>> -> memref<128xi32, #tpu.memory_space<vmem>>
    %dma_wait3A_64 = arith.constant 0 : i32
    %dma_wait3A_65 = tpu.memref_slice %arg12[%dma_wait3A_64] : memref<738304xi32, #tpu.memory_space<vmem_shared>> -> memref<738304xi32, #tpu.memory_space<vmem_shared>>
    tpu.wait_indirect_dma semaphore(%arg13 : memref<!tpu.dma_semaphore, #tpu.memory_space<semaphore_mem>>) src(%dma_wait3A_65 : memref<738304xi32, #tpu.memory_space<vmem_shared>>) dst(%dma_wait3A_60 : memref<128xi32, #tpu.memory_space<vmem>>)
    %rem3A_66 = arith.constant 49 : i32
    %rem3A_67 = arith.constant 2 : i32
    %rem3A_68 = arith.remsi %rem3A_66, %rem3A_67 : i32
    %mul3A_69 = arith.constant 4 : i32
    %mul3A_70 = arith.muli %rem3A_68, %mul3A_69 : i32
    %add3A_71 = arith.constant 2 : i32
    %add3A_72 = arith.addi %mul3A_70, %add3A_71 : i32
    %dma_wait3A_73 = arith.constant 49 : i32
    %dma_wait3A_74 = arith.constant 0 : i32
    %dma_wait3A_75 = tpu.memref_slice %arg8[%dma_wait3A_73, %dma_wait3A_74] : memref<50x512xi32, #tpu.memory_space<vmem>> -> memref<1x512xi32, #tpu.memory_space<vmem>>
    %dma_wait3A_76 = tpu.memref_squeeze %dma_wait3A_75 : memref<1x512xi32, #tpu.memory_space<vmem>> -> memref<512xi32, #tpu.memory_space<vmem>>
    %dma_wait3A_77 = arith.constant 256 : i32
    %dma_wait3A_78 = tpu.memref_slice %dma_wait3A_76[%dma_wait3A_77] : memref<512xi32, #tpu.memory_space<vmem>> -> memref<128xi32, #tpu.memory_space<vmem>>
    %dma_wait3A_79 = arith.constant 0 : i32
    %dma_wait3A_80 = tpu.memref_slice %arg7[%add3A_72, %dma_wait3A_79] : memref<8x128xi32, #tpu.memory_space<vmem>> -> memref<1x128xi32, #tpu.memory_space<vmem>>
    %dma_wait3A_81 = tpu.memref_squeeze %dma_wait3A_80 : memref<1x128xi32, #tpu.memory_space<vmem>> -> memref<128xi32, #tpu.memory_space<vmem>>
    %dma_wait3A_82 = arith.constant 0 : i32
    %dma_wait3A_83 = tpu.memref_slice %arg12[%dma_wait3A_82] : memref<738304xi32, #tpu.memory_space<vmem_shared>> -> memref<738304xi32, #tpu.memory_space<vmem_shared>>
    tpu.wait_indirect_dma semaphore(%arg13 : memref<!tpu.dma_semaphore, #tpu.memory_space<semaphore_mem>>) src(%dma_wait3A_83 : memref<738304xi32, #tpu.memory_space<vmem_shared>>) dst(%dma_wait3A_78 : memref<128xi32, #tpu.memory_space<vmem>>)
    %rem3A_84 = arith.constant 49 : i32
    %rem3A_85 = arith.constant 2 : i32
    %rem3A_86 = arith.remsi %rem3A_84, %rem3A_85 : i32
    %mul3A_87 = arith.constant 4 : i32
    %mul3A_88 = arith.muli %rem3A_86, %mul3A_87 : i32
    %add3A_89 = arith.constant 3 : i32
    %add3A_90 = arith.addi %mul3A_88, %add3A_89 : i32
    %dma_wait3A_91 = arith.constant 49 : i32
    %dma_wait3A_92 = arith.constant 0 : i32
    %dma_wait3A_93 = tpu.memref_slice %arg8[%dma_wait3A_91, %dma_wait3A_92] : memref<50x512xi32, #tpu.memory_space<vmem>> -> memref<1x512xi32, #tpu.memory_space<vmem>>
    %dma_wait3A_94 = tpu.memref_squeeze %dma_wait3A_93 : memref<1x512xi32, #tpu.memory_space<vmem>> -> memref<512xi32, #tpu.memory_space<vmem>>
    %dma_wait3A_95 = arith.constant 384 : i32
    %dma_wait3A_96 = tpu.memref_slice %dma_wait3A_94[%dma_wait3A_95] : memref<512xi32, #tpu.memory_space<vmem>> -> memref<128xi32, #tpu.memory_space<vmem>>
    %dma_wait3A_97 = arith.constant 0 : i32
    %dma_wait3A_98 = tpu.memref_slice %arg7[%add3A_90, %dma_wait3A_97] : memref<8x128xi32, #tpu.memory_space<vmem>> -> memref<1x128xi32, #tpu.memory_space<vmem>>
    %dma_wait3A_99 = tpu.memref_squeeze %dma_wait3A_98 : memref<1x128xi32, #tpu.memory_space<vmem>> -> memref<128xi32, #tpu.memory_space<vmem>>
    %dma_wait3A_100 = arith.constant 0 : i32
    %dma_wait3A_101 = tpu.memref_slice %arg12[%dma_wait3A_100] : memref<738304xi32, #tpu.memory_space<vmem_shared>> -> memref<738304xi32, #tpu.memory_space<vmem_shared>>
    tpu.wait_indirect_dma semaphore(%arg13 : memref<!tpu.dma_semaphore, #tpu.memory_space<semaphore_mem>>) src(%dma_wait3A_101 : memref<738304xi32, #tpu.memory_space<vmem_shared>>) dst(%dma_wait3A_96 : memref<128xi32, #tpu.memory_space<vmem>>)
    %broadcast_in_dim3A = arith.constant 0.000000e+00 : f32
    %broadcast_in_dim3A_102 = vector.broadcast %broadcast_in_dim3A : f32 to vector<16xf32>
    %broadcast_in_dim3A_103 = arith.constant -65536 : i32
    %broadcast_in_dim3A_104 = vector.broadcast %broadcast_in_dim3A_103 : i32 to vector<16xi32>
    %scan3A_105 = arith.constant 0 : i32
    %scan3A_106 = arith.constant 0 : i32
    %scan3A_107 = arith.constant 32 : i32
    %scan3A_108 = arith.addi %scan3A_106, %scan3A_107 : i32
    %scan3A_109 = arith.constant 1 : i32
    %scan3A_110 = scf.for %scan3A_112 = %scan3A_106 to %scan3A_108 step %scan3A_109 iter_args(%scan3A_113 = %scan3A_105) -> (i32)  : i32 {
      %mul3A_114 = arith.constant 16 : i32
      %mul3A_115 = arith.muli %scan3A_112, %mul3A_114 : i32
      %scan3A_116 = arith.constant 0 : i32
      %scan3A_117 = arith.constant 50 : i32
      %scan3A_118 = arith.addi %scan3A_116, %scan3A_117 : i32
      %scan3A_119 = arith.constant 5 : i32
      %scan3A_120:2 = scf.for %scan3A_130 = %scan3A_116 to %scan3A_118 step %scan3A_119 iter_args(%scan3A_131 = %broadcast_in_dim3A_102, %scan3A_132 = %broadcast_in_dim3A_102) -> (vector<16xf32>, vector<16xf32>)  : i32 {
        %get3A = arith.index_cast %scan3A_130 : i32 to index
        %get3A_133 = arith.index_cast %mul3A_115 : i32 to index
        %get3A_134 = tpu.vector_load %arg8[%get3A, %get3A_133] {strides = array<i32>} : memref<50x512xi32, #tpu.memory_space<vmem>>, vector<1x16xi32>,
        %get3A_135 = vector.shape_cast %get3A_134 : vector<1x16xi32> to vector<16xi32>
        %shift_left3A = arith.constant 16 : i32
        %shift_left3A_136 = vector.broadcast %shift_left3A : i32 to vector<16xi32>
        %shift_left3A_137 = arith.shli %get3A_135, %shift_left3A_136 : vector<16xi32>
        %bitcast_convert_type3A = tpu.bitcast %shift_left3A_137 : vector<16xi32> -> vector<16xf32>
        %and3A = arith.andi %get3A_135, %broadcast_in_dim3A_104 : vector<16xi32>
        %bitcast_convert_type3A_138 = tpu.bitcast %and3A : vector<16xi32> -> vector<16xf32>
        %add3A_139 = arith.addf %scan3A_131, %bitcast_convert_type3A : vector<16xf32>
        %add3A_140 = arith.addf %scan3A_132, %bitcast_convert_type3A_138 : vector<16xf32>
        %scan3A_141 = arith.constant 1 : i32
        %scan3A_142 = arith.addi %scan3A_130, %scan3A_141 : i32
        %get3A_143 = arith.index_cast %scan3A_142 : i32 to index
        %get3A_144 = arith.index_cast %mul3A_115 : i32 to index
        %get3A_145 = tpu.vector_load %arg8[%get3A_143, %get3A_144] {strides = array<i32>} : memref<50x512xi32, #tpu.memory_space<vmem>>, vector<1x16xi32>,
        %get3A_146 = vector.shape_cast %get3A_145 : vector<1x16xi32> to vector<16xi32>
        %shift_left3A_147 = arith.constant 16 : i32
        %shift_left3A_148 = vector.broadcast %shift_left3A_147 : i32 to vector<16xi32>
        %shift_left3A_149 = arith.shli %get3A_146, %shift_left3A_148 : vector<16xi32>
        %bitcast_convert_type3A_150 = tpu.bitcast %shift_left3A_149 : vector<16xi32> -> vector<16xf32>
        %and3A_151 = arith.andi %get3A_146, %broadcast_in_dim3A_104 : vector<16xi32>
        %bitcast_convert_type3A_152 = tpu.bitcast %and3A_151 : vector<16xi32> -> vector<16xf32>
        %add3A_153 = arith.addf %add3A_139, %bitcast_convert_type3A_150 : vector<16xf32>
        %add3A_154 = arith.addf %add3A_140, %bitcast_convert_type3A_152 : vector<16xf32>
        %scan3A_155 = arith.constant 2 : i32
        %scan3A_156 = arith.addi %scan3A_130, %scan3A_155 : i32
        %get3A_157 = arith.index_cast %scan3A_156 : i32 to index
        %get3A_158 = arith.index_cast %mul3A_115 : i32 to index
        %get3A_159 = tpu.vector_load %arg8[%get3A_157, %get3A_158] {strides = array<i32>} : memref<50x512xi32, #tpu.memory_space<vmem>>, vector<1x16xi32>,
        %get3A_160 = vector.shape_cast %get3A_159 : vector<1x16xi32> to vector<16xi32>
        %shift_left3A_161 = arith.constant 16 : i32
        %shift_left3A_162 = vector.broadcast %shift_left3A_161 : i32 to vector<16xi32>
        %shift_left3A_163 = arith.shli %get3A_160, %shift_left3A_162 : vector<16xi32>
        %bitcast_convert_type3A_164 = tpu.bitcast %shift_left3A_163 : vector<16xi32> -> vector<16xf32>
        %and3A_165 = arith.andi %get3A_160, %broadcast_in_dim3A_104 : vector<16xi32>
        %bitcast_convert_type3A_166 = tpu.bitcast %and3A_165 : vector<16xi32> -> vector<16xf32>
        %add3A_167 = arith.addf %add3A_153, %bitcast_convert_type3A_164 : vector<16xf32>
        %add3A_168 = arith.addf %add3A_154, %bitcast_convert_type3A_166 : vector<16xf32>
        %scan3A_169 = arith.constant 3 : i32
        %scan3A_170 = arith.addi %scan3A_130, %scan3A_169 : i32
        %get3A_171 = arith.index_cast %scan3A_170 : i32 to index
        %get3A_172 = arith.index_cast %mul3A_115 : i32 to index
        %get3A_173 = tpu.vector_load %arg8[%get3A_171, %get3A_172] {strides = array<i32>} : memref<50x512xi32, #tpu.memory_space<vmem>>, vector<1x16xi32>,
        %get3A_174 = vector.shape_cast %get3A_173 : vector<1x16xi32> to vector<16xi32>
        %shift_left3A_175 = arith.constant 16 : i32
        %shift_left3A_176 = vector.broadcast %shift_left3A_175 : i32 to vector<16xi32>
        %shift_left3A_177 = arith.shli %get3A_174, %shift_left3A_176 : vector<16xi32>
        %bitcast_convert_type3A_178 = tpu.bitcast %shift_left3A_177 : vector<16xi32> -> vector<16xf32>
        %and3A_179 = arith.andi %get3A_174, %broadcast_in_dim3A_104 : vector<16xi32>
        %bitcast_convert_type3A_180 = tpu.bitcast %and3A_179 : vector<16xi32> -> vector<16xf32>
        %add3A_181 = arith.addf %add3A_167, %bitcast_convert_type3A_178 : vector<16xf32>
        %add3A_182 = arith.addf %add3A_168, %bitcast_convert_type3A_180 : vector<16xf32>
        %scan3A_183 = arith.constant 4 : i32
        %scan3A_184 = arith.addi %scan3A_130, %scan3A_183 : i32
        %get3A_185 = arith.index_cast %scan3A_184 : i32 to index
        %get3A_186 = arith.index_cast %mul3A_115 : i32 to index
        %get3A_187 = tpu.vector_load %arg8[%get3A_185, %get3A_186] {strides = array<i32>} : memref<50x512xi32, #tpu.memory_space<vmem>>, vector<1x16xi32>,
        %get3A_188 = vector.shape_cast %get3A_187 : vector<1x16xi32> to vector<16xi32>
        %shift_left3A_189 = arith.constant 16 : i32
        %shift_left3A_190 = vector.broadcast %shift_left3A_189 : i32 to vector<16xi32>
        %shift_left3A_191 = arith.shli %get3A_188, %shift_left3A_190 : vector<16xi32>
        %bitcast_convert_type3A_192 = tpu.bitcast %shift_left3A_191 : vector<16xi32> -> vector<16xf32>
        %and3A_193 = arith.andi %get3A_188, %broadcast_in_dim3A_104 : vector<16xi32>
        %bitcast_convert_type3A_194 = tpu.bitcast %and3A_193 : vector<16xi32> -> vector<16xf32>
        %add3A_195 = arith.addf %add3A_181, %bitcast_convert_type3A_192 : vector<16xf32>
        %add3A_196 = arith.addf %add3A_182, %bitcast_convert_type3A_194 : vector<16xf32>
        scf.yield %add3A_195, %add3A_196 : vector<16xf32>, vector<16xf32>
      }
      %scan3A_121 = arith.constant 50 : i32
      %swap3A = arith.index_cast %mul3A_115 : i32 to index
      %swap3A_122 = tpu.vector_load %arg9[%swap3A] {strides = array<i32>} : memref<512xf32, #tpu.memory_space<vmem>>, vector<16xf32>,
      %swap3A_123 = vector.shape_cast %swap3A_122 : vector<16xf32> to vector<16xf32>
      %swap3A_124 = vector.shape_cast %scan3A_120#0 : vector<16xf32> to vector<16xf32>
      tpu.vector_store %arg9[%swap3A], %swap3A_124 {strides = array<i32>} : memref<512xf32, #tpu.memory_space<vmem>>, vector<16xf32>,
      %swap3A_125 = arith.index_cast %mul3A_115 : i32 to index
      %swap3A_126 = tpu.vector_load %arg10[%swap3A_125] {strides = array<i32>} : memref<512xf32, #tpu.memory_space<vmem>>, vector<16xf32>,
      %swap3A_127 = vector.shape_cast %swap3A_126 : vector<16xf32> to vector<16xf32>
      %swap3A_128 = vector.shape_cast %scan3A_120#1 : vector<16xf32> to vector<16xf32>
      tpu.vector_store %arg10[%swap3A_125], %swap3A_128 {strides = array<i32>} : memref<512xf32, #tpu.memory_space<vmem>>, vector<16xf32>,
      %scan3A_129 = arith.constant 0 : i32
      scf.yield %scan3A_129 : i32
    }
    %scan3A_111 = arith.constant 32 : i32
    "tpu.region"() ({
      %run_scoped3A = tpu.sem_alloc : memref<!tpu.dma_semaphore, #tpu.memory_space<semaphore_mem>>
      %dma_start3A_112 = tpu.memref_slice %arg4[%mul3A_2] : memref<16384xf32, #tpu.memory_space<hbm>> -> memref<512xf32, #tpu.memory_space<hbm>>
      %dma_start3A_113 = tpu.memref_slice %arg4[%mul3A_2] : memref<16384xf32, #tpu.memory_space<hbm>> -> memref<512xf32, #tpu.memory_space<hbm>>
      tpu.enqueue_dma source(%arg9 : memref<512xf32, #tpu.memory_space<vmem>>) target(%dma_start3A_113 : memref<512xf32, #tpu.memory_space<hbm>>) target_semaphore(%run_scoped3A : memref<!tpu.dma_semaphore, #tpu.memory_space<semaphore_mem>>)
      %dma_wait3A_114 = tpu.memref_slice %arg4[%mul3A_2] : memref<16384xf32, #tpu.memory_space<hbm>> -> memref<512xf32, #tpu.memory_space<hbm>>
      %dma_wait3A_115 = tpu.memref_slice %arg4[%mul3A_2] : memref<16384xf32, #tpu.memory_space<hbm>> -> memref<512xf32, #tpu.memory_space<hbm>>
      tpu.wait_dma2 semaphore(%run_scoped3A : memref<!tpu.dma_semaphore, #tpu.memory_space<semaphore_mem>>) src(%arg9 : memref<512xf32, #tpu.memory_space<vmem>>) dst(%dma_wait3A_115 : memref<512xf32, #tpu.memory_space<hbm>>)
      tpu.yield
    }) : () -> ()
    "tpu.region"() ({
      %run_scoped3A = tpu.sem_alloc : memref<!tpu.dma_semaphore, #tpu.memory_space<semaphore_mem>>
      %dma_start3A_112 = tpu.memref_slice %arg5[%mul3A_2] : memref<16384xf32, #tpu.memory_space<hbm>> -> memref<512xf32, #tpu.memory_space<hbm>>
      %dma_start3A_113 = tpu.memref_slice %arg5[%mul3A_2] : memref<16384xf32, #tpu.memory_space<hbm>> -> memref<512xf32, #tpu.memory_space<hbm>>
      tpu.enqueue_dma source(%arg10 : memref<512xf32, #tpu.memory_space<vmem>>) target(%dma_start3A_113 : memref<512xf32, #tpu.memory_space<hbm>>) target_semaphore(%run_scoped3A : memref<!tpu.dma_semaphore, #tpu.memory_space<semaphore_mem>>)
      %dma_wait3A_114 = tpu.memref_slice %arg5[%mul3A_2] : memref<16384xf32, #tpu.memory_space<hbm>> -> memref<512xf32, #tpu.memory_space<hbm>>
      %dma_wait3A_115 = tpu.memref_slice %arg5[%mul3A_2] : memref<16384xf32, #tpu.memory_space<hbm>> -> memref<512xf32, #tpu.memory_space<hbm>>
      tpu.wait_dma2 semaphore(%run_scoped3A : memref<!tpu.dma_semaphore, #tpu.memory_space<semaphore_mem>>) src(%arg10 : memref<512xf32, #tpu.memory_space<vmem>>) dst(%dma_wait3A_115 : memref<512xf32, #tpu.memory_space<hbm>>)
      tpu.yield
    }) : () -> ()
    return
  }
}

module attributes {stable_mosaic.version = 14 : i64} {
  func.func @_mm_body(%arg0: i32, %arg1: memref<4096x300xbf16, #tpu.memory_space<vmem>>, %arg2: memref<100x300xbf16, #tpu.memory_space<vmem>>, %arg3: memref<100x1xf32, #tpu.memory_space<vmem>>, %arg4: memref<4096x50xi32, #tpu.memory_space<vmem>>, %arg5: memref<50x4096xi32, #tpu.memory_space<vmem>>, %arg6: memref<50x4096xi32, #tpu.memory_space<vmem>>) attributes {dimension_semantics = [#tpu.dimension_semantics<arbitrary>], iteration_bounds = array<i64: 4>, scalar_prefetch = 0 : i64, scratch_operands = 0 : i64, tpu.core_type = #tpu.core_type<tc>, window_params = [{transform_indices = @transform_0, window_bounds = array<i64: 4096, 300>}, {pipeline_mode = #tpu.pipeline_mode<synchronous>, transform_indices = @transform_1, window_bounds = array<i64: 100, 300>}, {pipeline_mode = #tpu.pipeline_mode<synchronous>, transform_indices = @transform_2, window_bounds = array<i64: 100, 1>}, {transform_indices = @transform_3, window_bounds = array<i64: 4096, 50>}, {transform_indices = @transform_4, window_bounds = array<i64: 50, 4096>}, {transform_indices = @transform_5, window_bounds = array<i64: 50, 4096>}]} {
    %get3A = arith.constant 0 : index
    %get3A_0 = arith.constant 0 : index
    %get3A_1 = vector.load %arg1[%get3A, %get3A_0] : memref<4096x300xbf16, #tpu.memory_space<vmem>>, vector<4096x300xbf16>
    %max3A = arith.constant 0.000000e+00 : bf16
    %max3A_2 = vector.broadcast %max3A : bf16 to vector<4096x300xbf16>
    %max3A_3 = arith.maximumf %get3A_1, %max3A_2 : vector<4096x300xbf16>
    %get3A_4 = arith.constant 0 : index
    %get3A_5 = arith.constant 0 : index
    %get3A_6 = vector.load %arg2[%get3A_4, %get3A_5] : memref<100x300xbf16, #tpu.memory_space<vmem>>, vector<100x300xbf16>
    %dot_general3A = arith.constant dense<0.000000e+00> : vector<100x4096xf32>
    %dot_general3A_7 = tpu.matmul %get3A_6, %max3A_3, %dot_general3A {dimension_numbers = #tpu.dot_dimension_numbers<[1], [1], [0], [0], [0, 0, 1, 0], [], []>, transpose_lhs_hint = false} : vector<100x300xbf16>, vector<4096x300xbf16>, vector<100x4096xf32> -> vector<100x4096xf32>
    %get3A_8 = arith.constant 0 : index
    %get3A_9 = arith.constant 0 : index
    %get3A_10 = vector.load %arg3[%get3A_8, %get3A_9] : memref<100x1xf32, #tpu.memory_space<vmem>>, vector<100x1xf32>
    %add3A = vector.broadcast %get3A_10 : vector<100x1xf32> to vector<100x4096xf32>
    %add3A_11 = arith.addf %dot_general3A_7, %add3A : vector<100x4096xf32>
    %slice3A = vector.extract_strided_slice %add3A_11 {offsets = [0, 0], sizes = [50, 4096], strides = [1, 1]} : vector<100x4096xf32> to vector<50x4096xf32>
    %convert_element_type3A = arith.truncf %slice3A : vector<50x4096xf32> to vector<50x4096xbf16>
    %bitcast_convert_type3A = tpu.bitcast %convert_element_type3A : vector<50x4096xbf16> -> vector<50x4096xi16>
    %convert_element_type3A_12 = arith.extui %bitcast_convert_type3A : vector<50x4096xi16> to vector<50x4096xi32>
    %slice3A_13 = vector.extract_strided_slice %add3A_11 {offsets = [50, 0], sizes = [50, 4096], strides = [1, 1]} : vector<100x4096xf32> to vector<50x4096xf32>
    %convert_element_type3A_14 = arith.truncf %slice3A_13 : vector<50x4096xf32> to vector<50x4096xbf16>
    %bitcast_convert_type3A_15 = tpu.bitcast %convert_element_type3A_14 : vector<50x4096xbf16> -> vector<50x4096xi16>
    %convert_element_type3A_16 = arith.extui %bitcast_convert_type3A_15 : vector<50x4096xi16> to vector<50x4096xi32>
    %shift_left3A = arith.constant 16 : i32
    %shift_left3A_17 = vector.broadcast %shift_left3A : i32 to vector<50x4096xi32>
    %shift_left3A_18 = arith.shli %convert_element_type3A_16, %shift_left3A_17 : vector<50x4096xi32>
    %or3A = arith.ori %convert_element_type3A_12, %shift_left3A_18 : vector<50x4096xi32>
    %bitcast_convert_type3A_19 = tpu.bitcast %or3A : vector<50x4096xi32> -> vector<50x4096xi32>
    %swap3A = arith.constant 0 : index
    %swap3A_20 = arith.constant 0 : index
    %swap3A_21 = vector.load %arg5[%swap3A, %swap3A_20] : memref<50x4096xi32, #tpu.memory_space<vmem>>, vector<50x4096xi32>
    tpu.vector_store %arg5[%swap3A, %swap3A_20], %bitcast_convert_type3A_19 {strides = array<i32>} : memref<50x4096xi32, #tpu.memory_space<vmem>>, vector<50x4096xi32>,
    %get3A_22 = arith.constant 0 : index
    %get3A_23 = arith.constant 0 : index
    %get3A_24 = vector.load %arg4[%get3A_22, %get3A_23] : memref<4096x50xi32, #tpu.memory_space<vmem>>, vector<4096x50xi32>
    %transpose3A = tpu.transpose %get3A_24, [1, 0] : vector<4096x50xi32> -> vector<50x4096xi32>
    %swap3A_25 = arith.constant 0 : index
    %swap3A_26 = arith.constant 0 : index
    %swap3A_27 = vector.load %arg6[%swap3A_25, %swap3A_26] : memref<50x4096xi32, #tpu.memory_space<vmem>>, vector<50x4096xi32>
    tpu.vector_store %arg6[%swap3A_25, %swap3A_26], %transpose3A {strides = array<i32>} : memref<50x4096xi32, #tpu.memory_space<vmem>>, vector<50x4096xi32>,
    return
  }
  func.func @transform_0(%arg0: i32) -> (i32, i32) {
    %c0_i32 = arith.constant 0 : i32
    %c0_i32_0 = arith.constant 0 : i32
    return %arg0, %c0_i32 : i32, i32
  }
  func.func @transform_1(%arg0: i32) -> (i32, i32) {
    %c0_i32 = arith.constant 0 : i32
    %c0_i32_0 = arith.constant 0 : i32
    %c0_i32_1 = arith.constant 0 : i32
    return %c0_i32, %c0_i32_0 : i32, i32
  }
  func.func @transform_2(%arg0: i32) -> (i32, i32) {
    %c0_i32 = arith.constant 0 : i32
    %c0_i32_0 = arith.constant 0 : i32
    %c0_i32_1 = arith.constant 0 : i32
    return %c0_i32, %c0_i32_0 : i32, i32
  }
  func.func @transform_3(%arg0: i32) -> (i32, i32) {
    %c0_i32 = arith.constant 0 : i32
    %c0_i32_0 = arith.constant 0 : i32
    return %arg0, %c0_i32 : i32, i32
  }
  func.func @transform_4(%arg0: i32) -> (i32, i32) {
    %c0_i32 = arith.constant 0 : i32
    %c0_i32_0 = arith.constant 0 : i32
    return %c0_i32, %arg0 : i32, i32
  }
  func.func @transform_5(%arg0: i32) -> (i32, i32) {
    %c0_i32 = arith.constant 0 : i32
    %c0_i32_0 = arith.constant 0 : i32
    return %c0_i32, %arg0 : i32, i32
  }
}

</mosaic_0001>

<sc_bundles>
// kernel: kernel.4.cloned.1.call-start
scs
__scs_entry_jumppad:
0x0: {  	(pc) =	sbr.rel $0x88, $3  }
0x1: {  	(tag) =	ssettag $0x0;
	lr =	simm.s32 $0x1  }
0x2: {  	[smem:$0x3F9D] =	sst lr;
	_ =	strace $0xD0000000  }
0x3: {  	_ = 	snop  }
0x4: {  	_ = 	snop  }
0x5: {  	_ = 	snop  }
0x6: {  	_ = 	snop  }
0x7: {  	_ = 	snop  }
__scs_overlays_trampoline_lowered:
0x8: {  	[smem:$0x3FAC] =	sst s0  }
0x9: {  	[smem:$0x3FAD] =	sst s1  }
0xa: {  	[smem:$0x3FAE] =	sst s2  }
0xb: {  	[smem:$0x3FAF] =	sst s3  }
0xc: {  	[smem:$0x3FB0] =	sst s4  }
0xd: {  	[smem:$0x3FB1] =	sst s5  }
0xe: {  	[smem:$0x3FB2] =	sst s6  }
0xf: {  	[smem:$0x3FB3] =	sst s7  }
0x10: {  	[smem:$0x3FB4] =	sst s8  }
0x11: {  	[smem:$0x3FB5] =	sst s9;
	s0 =	simm.s32 @!p0 $0x0  }
0x12: {  	s1 =	sld [smem:$0x3F9B];
	s0 =	simm.s32 @p0 $0x1  }
0x13: {  	[smem:$0x3FB6] =	sst s0;
	s0 =	simm.s32 @!p1 $0x0  }
0x14: {  	s2 =	sld [smem:$0x3F9A];
	s0 =	simm.s32 @p1 $0x1  }
0x15: {  	[smem:$0x3FB7] =	sst s0;
	s0 =	simm.s32 @!p2 $0x0  }
0x16: {  	s3 =	sld [smem:$0x3FDB];
	s0 =	simm.s32 @p2 $0x1  }
0x17: {  	s4 =	simm.s32 $0x1BF5;
	[smem:$0x3FB9] =	sst s0  }
0x18: {  	s0 =	sld [smem:$0x3F9C];
	_ =	swait.ge [sflag:s4], $0x0  }
0x19: {  	s7 =	sld [smem:$0x3F9D]  }
0x1a: {  	s8 =	sadd.s32 $0xFFFFE003, lr  }
0x1b: {  	s9 =	sadd.s32 $0xFFFFFEF7, lr;
	s5 =	simm.s32 $0xFFFFFFFF;
	p2 =	slt.u32 s8, $0xFFFFF086  }
0x1c: {  	p1 =	slt.u32 s9, $0xF7A;
	s5 =	simm.s32 @!p2 $0x0  }
0x1d: {  	s5 =	simm.s32 @p1 $0x1;
	p0 =	seq.s32 s7, s2  }
0x1e: {  	s7 =	smul.u32 @!p0 $0xF7A, s2;
	p2 =	seq.s32 @!p0 s5, $0x0  }
0x1f: {  	s9 =	smul.u32 $0xF7A, s1;
	s8 =	simm.s32 @!p0 $0x1BF5;
	p2 =	por !p2, p0  }
0x20: {  	[sflag:s8] =	ssyncset.s32 @!p0 $0xFFFFF086;
	s6 =	sadd.s32 @!p0 s3, s7;
	s7 =	simm.s32 @!p0 $0x108  }
0x21: {  	s3 =	sadd.s32 s3, s9;
	s6 =	sadd.s32 @!p0 $0x88, s6;
	s7 =	simm.s32 @p2 $0x1082  }
0x22: {  	[simem:s7], [sflag:s8] =	dma.local @!p0 [hbm:s6], $0xF7A  }
0x23: {  	s9 =	sor.u32 $0xD0000000, s2;
	s6 =	simm.s32 $0x108;
	_ =	swait.ge @!p0 [sflag:s8], $0x0  }
0x24: {  	s3 =	sadd.s32 $0x88, s3;
	s6 =	simm.s32 @!p1 $0x1082;
	[sflag:s4] =	ssyncset.s32 $0xFFFFF086  }
0x25: {  	[simem:s6], [sflag:s4] =	dma.local [hbm:s3], $0xF7A  }
0x26: {  	[smem:$0x3F9D] =	sst s1;
	(tag) =	ssettag s2;
	_ =	strace s9  }
0x27: {  	s1 =	sld [smem:$0x3FAD]  }
0x28: {  	s2 =	sld [smem:$0x3FAE]  }
0x29: {  	s4 =	sld [smem:$0x3FB0]  }
0x2a: {  	p0 =	seq.s32 s5, $0x0;
	s5 =	sld [smem:$0x3FB1]  }
0x2b: {  	s6 =	sld [smem:$0x3FB2]  }
0x2c: {  	s7 =	sld [smem:$0x3FB3]  }
0x2d: {  	s3 =	simm.s32 $0x108;
	s8 =	sld [smem:$0x3FB4]  }
0x2e: {  	s3 =	simm.s32 @!p0 $0x1082;
	s9 =	sld [smem:$0x3FB5]  }
0x2f: {  	lr =	sadd.s32 s0, s3;
	s0 =	sld [smem:$0x3FAC]  }
0x30: {  	s3 =	sld [smem:$0x3FAF]  }
0x31: {  	[smem:$0x3FB8] =	sst s10  }
0x32: {  	s10 =	sld [smem:$0x3FB6];
	_ =	sdelay $0x3  }
0x33: {  	p0 =	seq.s32 s10, $0x1;
	s10 =	sld [smem:$0x3FB8];
	_ =	sdelay $0x3  }
0x34: {  	[smem:$0x3FB8] =	sst s10  }
0x35: {  	s10 =	sld [smem:$0x3FB7];
	_ =	sdelay $0x3  }
0x36: {  	p1 =	seq.s32 s10, $0x1;
	s10 =	sld [smem:$0x3FB8];
	_ =	sdelay $0x3  }
0x37: {  	[smem:$0x3FB8] =	sst s10  }
0x38: {  	s10 =	sld [smem:$0x3FB9]  }
0x39: {  	_ = 	snop;
	(pc) =	sbr.ind lr, $3  }
0x3a: {  	_ = 	snop  }
0x3b: {  	_ = 	snop  }
0x3c: {  	p2 =	seq.s32 s10, $0x1;
	s10 =	sld [smem:$0x3FB8]  }
0x3d: {  	_ =	shalt  }
0x3e: {  	_ =	shalt  }
0x3f: {  	_ =	shalt  }
0x40: {  	_ =	shalt  }
0x41: {  	_ =	shalt  }
0x42: {  	_ =	shalt  }
0x43: {  	_ =	shalt  }
0x44: {  	_ =	shalt  }
0x45: {  	_ =	shalt  }
0x46: {  	_ =	shalt  }
0x47: {  	_ =	shalt  }
0x48: {  	_ =	shalt  }
0x49: {  	_ =	shalt  }
0x4a: {  	_ =	shalt  }
0x4b: {  	_ =	shalt  }
0x4c: {  	_ =	shalt  }
0x4d: {  	_ =	shalt  }
0x4e: {  	_ =	shalt  }
0x4f: {  	_ =	shalt  }
0x50: {  	_ =	shalt  }
0x51: {  	_ =	shalt  }
0x52: {  	_ =	shalt  }
0x53: {  	_ =	shalt  }
0x54: {  	_ =	shalt  }
0x55: {  	_ =	shalt  }
0x56: {  	_ =	shalt  }
0x57: {  	_ =	shalt  }
0x58: {  	_ =	shalt  }
0x59: {  	_ =	shalt  }
0x5a: {  	_ =	shalt  }
0x5b: {  	_ =	shalt  }
0x5c: {  	_ =	shalt  }
0x5d: {  	_ =	shalt  }
0x5e: {  	_ =	shalt  }
0x5f: {  	_ =	shalt  }
0x60: {  	_ =	shalt  }
0x61: {  	_ =	shalt  }
0x62: {  	_ =	shalt  }
0x63: {  	_ =	shalt  }
0x64: {  	_ =	shalt  }
0x65: {  	_ =	shalt  }
0x66: {  	_ =	shalt  }
0x67: {  	_ =	shalt  }
0x68: {  	_ =	shalt  }
0x69: {  	_ =	shalt  }
0x6a: {  	_ =	shalt  }
0x6b: {  	_ =	shalt  }
0x6c: {  	_ =	shalt  }
0x6d: {  	_ =	shalt  }
0x6e: {  	_ =	shalt  }
0x6f: {  	_ =	shalt  }
0x70: {  	_ =	shalt  }
0x71: {  	_ =	shalt  }
0x72: {  	_ =	shalt  }
0x73: {  	_ =	shalt  }
0x74: {  	_ =	shalt  }
0x75: {  	_ =	shalt  }
0x76: {  	_ =	shalt  }
0x77: {  	_ =	shalt  }
0x78: {  	_ =	shalt  }
0x79: {  	_ =	shalt  }
0x7a: {  	_ =	shalt  }
0x7b: {  	_ =	shalt  }
0x7c: {  	_ =	shalt  }
0x7d: {  	_ =	shalt  }
0x7e: {  	_ =	shalt  }
0x7f: {  	_ =	shalt  }
0x80: {  	_ =	shalt  }
0x81: {  	_ =	shalt  }
0x82: {  	_ =	shalt  }
0x83: {  	_ =	shalt  }
0x84: {  	_ =	shalt  }
0x85: {  	_ =	shalt  }
0x86: {  	_ =	shalt  }
0x87: {  	_ =	shalt  }
.Lfunc_end0:
.L_simem_size_0:
called_computation_lowered:
.L_overlay_start_0:
0x88: {  	s2 =	sld [smem:$0x3FD9]  }
0x89: {  	s3 =	sld [smem:$0x3FFE];
	_ =	sdelay $0x1  }
0x8a: {  	s1 =	srdreg.scid  }
0x8b: {  	s0 =	sand.u32 $0x1, s1  }
0x8c: {  	s16 =	sshll.u32 s0, $0xA;
	s2 =	sadd.s32 s3, s2  }
0x8d: {  	s2 =	sadd.s32 s2, s16  }
0x8e: {  	[smem:$0x3FC4] =	sst s2  }
0x8f: {  	_ = 	snop  }
0x90: {  	(tm) =	ssettm $0x1  }
0x91: {  	s17 =	sld [smem:$0x3FFB];
	_ =	sdelay $0x3  }
0x92: {  	_ =	strace s17  }
0x93: {  	s2 =	sld [smem:$0x3FFC];
	_ =	sdelay $0x3  }
0x94: {  	_ =	strace s2  }
0x95: {  	s2 =	sld [smem:$0x3FFD];
	_ =	sdelay $0x3  }
0x96: {  	_ =	strace s2  }
0x97: {  	_ =	strace $0x8FFFFFFF  }
0x98: {  	s18 =	sld [smem:$0x3FDB];
	_ =	sdelay $0x1  }
0x99: {  	s19 =	simm.s32 $_scs_section_size  }
0x9a: {  	s4 =	simm.s32 $_size__tile_overlayer_lowered;
	s5 =	simm.s32 $_tile_overlayer_lowered  }
0x9b: {  	s22 =	simm.s32 $0x1BFF;
	s21 =	sshll.u32 s5, $0x1;
	s2 =	sadd.s32 s19, s18  }
0x9c: {  	s6 =	simm.s32 $0x0;
	s20 =	sshll.u32 s4, $0x1;
	s4 =	sadd.s32 s21, s2  }
0x9d: {  	[timem:s6], [sflag:s22] =	dma.local [hbm:s4], s20  }
0x9e: {  	_ =	swait.ge [sflag:s22], s20  }
0x9f: {  	s3 =	ssub.s32 $0x0, s20;
	[sflag:s22] =	ssyncset.done $0x0  }
0xa0: {  	[sflag:s22] =	ssyncadd.s32 s3;
	_ =	sdelay $0x1  }
0xa1: {  	s23 =	simm.s32 $0x1B8B  }
0xa2: {  	_ =	swait.ge [sflag:s23], $0x1  }
0xa3: {  	[sflag:s23] =	ssyncset.done $0x0  }
0xa4: {  	s25 =	simm.s32 $0x1B8E;
	s24 =	sld [smem:$0x3FFE];
	[sflag:s23] =	ssyncadd.s32 $0xFFFFFFFF  }
0xa5: {  	s26 =	simm.s32 $execute0_lowered;
	[smem:$0x3FD2] =	sst s25  }
0xa6: {  	s4 =	sshll.u32 s26, $0x1;
	_ =	strace $0x80000046;
	[dreg:$0x1] =	wrdreg $0xFFFFFFFF  }
0xa7: {  	s28 =	simm.s32 $_size_execute0_lowered;
	s2 =	sadd.s32 s2, s4;
	[dreg:$0x0] =	wrdreg $0x0  }
0xa8: {  	s4 =	sshll.u32 s28, $0x1;
	[dreg:$0x2] =	wrdreg s2  }
0xa9: {  	[dreg:$0x3] =	wrdreg s4  }
0xaa: {  	[dreg:$0x4] =	wrdreg $0xC0  }
0xab: {  	_ =	task [dreg:s6], $0x5FFFF  }
0xac: {  	[dreg:$0x1] =	wrdreg $0xFFFFFFFF  }
0xad: {  	[dreg:$0x0] =	wrdreg $0x60  }
0xae: {  	[dreg:$0x2] =	wrdreg s24  }
0xaf: {  	[dreg:$0x3] =	wrdreg $0xFF000  }
0xb0: {  	[dreg:$0x4] =	wrdreg $0x9  }
0xb1: {  	_ =	task.clear_ibuf [dreg:s6], $0x5FFFF;
	_ =	strace $0x90000046  }
0xb2: {  	s29 =	simm.s32 $0x9;
	_ =	strace $0x80000048  }
0xb3: {  	_ =	swait.ge [sflag:s29], $0x1  }
0xb4: {  	[sflag:s29] =	ssyncadd.s32 $0xFFFFFFFF  }
0xb5: {  	_ =	strace $0x90000048  }
0xb6: {  	_ =	sfence  }
0xb7: {  	s30 =	sld [smem:$0x0];
	_ =	sdelay $0x2  }
0xb8: {  	s31 =	sshll.u32 s1, $0xD;
	s1 =	sshrl.u32 s1, $0x2  }
0xb9: {  	s3 =	sand.u32 $0x4000, s31;
	s1 =	sadd.s32 s1, s30  }
0xba: {  	s0 =	sor.u32 s3, s0;
	s1 =	sshll.u32 s1, $0x11  }
0xbb: {  	s0 =	sor.u32 s1, s0  }
0xbc: {  	s0 =	sadd.s32 $0x8F2B, s0  }
0xbd: {  	[sflag:s0] =	ssyncadd.remote.s32 $0x1  }
0xbe: {  	_ =	sfence.sel $0xFFFF  }
0xbf: {  	[dreg:$0x0] =	wrdreg $0xFFFFFFFF;
	(pc) =	sbr.abs _section_cstart, $3  }
0xc0: {  	[dreg:$0x1] =	wrdreg $0xFFFFFFFF  }
0xc1: {  	_ =	task.clear_ibuf [dreg:s6], $0x2FFFF;
	_ =	strace $0x9FFFFFFF  }
0xc2: {  	(tm) =	ssettm $0x7FFFFFFF  }
0xc3: {  	_ =	shalt  }
tec
execute0_lowered:
.L_overlay_start_1:
0x0: {  	(tag) =	ssettag $0x1  }
0x1: {  	s0 =	rddreg [dreg:$0x0]  }
0x2: {  	s2 =	rddreg [dreg:$0x1];
	s1 =	srdreg.scid;
	s3 =	simm.s32 $0x0  }
0x3: {  	s14 =	stileid.u32;
	s16 =	simm.s32 $0xE800;
	s17 =	simm.s32 $0x3  }
0x4: {  	s18 =	simm.s32 $0x2;
	s19 =	simm.s32 $0x80;
	s20 =	simm.s32 $0x1  }
0x5: {  	s21 =	simm.s32 $0xE400;
	s22 =	simm.s32 $0xE600;
	s23 =	simm.s32 $0x0  }
0x6: {  	s1 =	sand.u32 $0x1, s1;
	[smem:$0x7FF] =	sst s3;
	s4 =	sshll.u32 s14, $0xA  }
0x7: {  	p0 =	seq.s32 s14, $0xF;
	s13 =	smul.u32 $0x2D100, s14;
	s9 =	sadd.s32 $0xB2D78, s2  }
0x8: {  	s5 =	sshll.u32 s1, $0x9;
	_ =	strace $0x80000047;
	s1 =	ssub.s32 $0x2, s1  }
0x9: {  	s5 =	sor.u32 s5, s4;
	s4 =	sadd.s32 $0x1D200, s0;
	s7 =	sshrl.u32 s1, $0x1  }
0xa: {  	s31 =	sshrl.u32 s13, $0x2;
	s6 =	sshrl.u32 s5, $0x3;
	s8 =	sadd.s32 s5, s0  }
0xb: {  	s1 =	ssub.s32 s1, s7;
	s5 =	simm.s32 $0x7;
	s13 =	sadd.s32 s31, s2  }
0xc: {  	s11 =	sadd.s32 s6, s0;
	s6 =	smul.u32 $0xB440, s14;
	s7 =	sadd.s32 $0x1200, s8  }
0xd: {  	s5 =	simm.s32 @!p0 $0x8;
	s8 =	sadd.s32 $0x337AF, s0;
	s12 =	smax.u32 s1, $0x1  }
0xe: {  	p0 =	sne.s32 s14, $0xF;
	s10 =	sadd.s32 $0x33C00, s11;
	s11 =	sadd.s32 $0x34400, s11  }
.LBB2_1:
0xf: {  	p2 =	sne.s32 s5, $0x1  }
.Ltmp0:
0x10: {  	_ = 	snop;
	(pc) =	sbr.rel @!p2 .LBB2_2-.Ltmp0, $4  }
0x11: {  	_ = 	snop  }
0x12: {  	s0 =	simm.s32 $0x1000;
	s1 =	simm.s32 $0x20000  }
0x13: {  	[tilespmem:s3], [sflag:$0x2] =	stream.strided.gather [hbm4b:s7+s0], $0x7000, s1, s0, $0x38;
	[tilespmem:$0x1B340] =	vst v63  }
0x14: {  	s25 =	sshrl.u32 s6, $0x3;
	p1 =	por $0x0, $0x0;
	s0 =	sadd.s32 $0xFFFFFFFF, s5  }
0x15: {  	s1 =	sadd.s32 s4, s25  }
0x16: {  	[tilespmem:s16], [sflag:$0x3] =	stream.linear.gather [hbm4b:s1+s3], $0x1688, $0x38;
	[tilespmem:$0x1B340] =	vst v63  }
0x17: {  	p2 =	sne.s32 s0, $0x1;
	_ =	swait.ge [sflag:s17], $0x1688  }
.Ltmp1:
0x18: {  	[sflag:s17] =	ssyncset.done $0x0;
	(pc) =	sbr.rel @!p2 .LBB2_4-.Ltmp1, $4  }
0x19: {  	s24 =	sadd.s32 $0x1688, s6;
	[sflag:s17] =	ssyncadd.s32 $0xFFFFE978  }
0x1a: {  	[spmem:s13] =	stream.linear.scatter [tilespmem:s16], [sflag:$0x3], $0x1688, $0x38;
	[tilespmem:$0x1B340] =	vst v63  }
0x1b: {  	p1 =	por $0x1, $0x1;
	s1 =	sadd.s32 $0xFFFFFFFF, s0;
	_ =	swait.ge [sflag:s17], $0x1688  }
0x1c: {  	s25 =	sshrl.u32 s24, $0x3;
	s0 =	smov.u32 s13;
	[sflag:s17] =	ssyncset.done $0x0  }
.LBB2_5:
0x1d: {  	s25 =	sadd.s32 s4, s25;
	[sflag:s17] =	ssyncadd.s32 $0xFFFFE978;
	s0 =	sadd.s32 $0x1688, s0  }
0x1e: {  	[tilespmem:s16], [sflag:$0x3] =	stream.linear.gather [hbm4b:s25+s3], $0x1688, $0x38;
	[tilespmem:$0x1B340] =	vst v63  }
0x1f: {  	p2 =	sne.s32 s1, $0x1;
	s1 =	sadd.s32 $0xFFFFFFFF, s1;
	_ =	swait.ge [sflag:s17], $0x1688  }
.Ltmp2:
0x20: {  	[sflag:s17] =	ssyncset.done $0x0;
	(pc) =	sbr.rel @p2 .LBB2_5-.Ltmp2, $4  }
0x21: {  	[sflag:s17] =	ssyncadd.s32 $0xFFFFE978  }
0x22: {  	[spmem:s0] =	stream.linear.scatter [tilespmem:s16], [sflag:$0x3], $0x1688, $0x38;
	[tilespmem:$0x1B340] =	vst v63  }
0x23: {  	s24 =	sadd.s32 $0x1688, s24;
	_ =	swait.ge [sflag:s17], $0x1688  }
0x24: {  	s25 =	sshrl.u32 s24, $0x3;
	[sflag:s17] =	ssyncset.done $0x0  }
.LBB2_6:
0x25: {  	s1 =	sadd.s32 s4, s25;
	[sflag:s17] =	ssyncadd.s32 @p1 $0xFFFFE978  }
0x26: {  	[tilespmem:s16], [sflag:$0x3] =	stream.linear.gather [hbm4b:s1+s3], $0x1688, $0x38;
	[tilespmem:$0x1B340] =	vst v63  }
0x27: {  	_ =	swait.ge [sflag:s17], $0x1688  }
0x28: {  	s0 =	sadd.s32 @p1 $0x1688, s0;
	s1 =	smov.u32 s13;
	[sflag:s17] =	ssyncset.done $0x0  }
0x29: {  	s1 =	smov.u32 @p1 s0;
	[sflag:s17] =	ssyncadd.s32 $0xFFFFE978  }
0x2a: {  	[spmem:s1] =	stream.linear.scatter [tilespmem:s16], [sflag:$0x3], $0x1688, $0x38;
	[tilespmem:$0x1B340] =	vst v63  }
0x2b: {  	_ =	swait.ge [sflag:s17], $0x1688  }
0x2c: {  	[sflag:s17] =	ssyncset.done $0x0  }
0x2d: {  	s0 =	simm.s32 @!p0 $0x0;
	s1 =	simm.s32 @!p0 $0xE800;
	[sflag:s17] =	ssyncadd.s32 $0xFFFFE978  }
0x2e: {  	[tilespmem:s1], [sflag:$0x3] =	stream.linear.gather @!p0 [hbm4b:s8+s0], $0x15BC, $0x38;
	[tilespmem:$0x1B340] =	vst v63  }
0x2f: {  	s0 =	simm.s32 @!p0 $0x3  }
0x30: {  	_ =	swait.ge @!p0 [sflag:s0], $0x15BC  }
0x31: {  	[sflag:s0] =	ssyncset.done @!p0 $0x0  }
0x32: {  	[sflag:s0] =	ssyncadd.s32 @!p0 $0xFFFFEA44  }
0x33: {  	[spmem:s9] =	stream.linear.scatter @!p0 [tilespmem:s1], [sflag:$0x3], $0x15BC, $0x38;
	[tilespmem:$0x1B340] =	vst v63  }
0x34: {  	_ =	swait.ge @!p0 [sflag:s0], $0x15BC  }
0x35: {  	[sflag:s0] =	ssyncset.done @!p0 $0x0  }
0x36: {  	[sflag:s0] =	ssyncadd.s32 @!p0 $0xFFFFEA44  }
0x37: {  	[bflag:$0x0] =	sbarrier.arrive $0xFFFF  }
0x38: {  	s24 =	simm.s32 $0x0;
	_ =	swait.ge [sflag:s18], $0x7000  }
0x39: {  	s15 =	sand.u32 $0x7000, s24;
	s25 =	sand.u32 $0x380, s24;
	[sflag:s18] =	ssyncset.done $0x0  }
0x3a: {  	s0 =	sor.u32 s25, s15;
	[sflag:s18] =	ssyncadd.s32 $0xFFFF9000  }
0x3b: {  	v0 =	vld [tilespmem:s0+$0x0];
	_ =	sdelay $0x4  }
0x3c: {  	s1 =	sand.u32 $0x200, s24;
	v0 =	vadd.s32 s24, v0  }
0x3d: {  	[tilespmem:s1+$0x7000] =	vst v0  }
0x3e: {  	v0 =	vld [tilespmem:s0+$0x10];
	_ =	sdelay $0x4  }
0x3f: {  	v0 =	vadd.s32 s24, v0  }
0x40: {  	[tilespmem:s1+$0x7010] =	vst v0  }
0x41: {  	v0 =	vld [tilespmem:s0+$0x20];
	_ =	sdelay $0x4  }
0x42: {  	v0 =	vadd.s32 s24, v0  }
0x43: {  	[tilespmem:s1+$0x7020] =	vst v0  }
0x44: {  	v0 =	vld [tilespmem:s0+$0x30];
	_ =	sdelay $0x4  }
0x45: {  	v0 =	vadd.s32 s24, v0  }
0x46: {  	[tilespmem:s1+$0x7030] =	vst v0  }
0x47: {  	v0 =	vld [tilespmem:s0+$0x40];
	_ =	sdelay $0x4  }
0x48: {  	v0 =	vadd.s32 s24, v0  }
0x49: {  	[tilespmem:s1+$0x7040] =	vst v0  }
0x4a: {  	v0 =	vld [tilespmem:s0+$0x50];
	_ =	sdelay $0x4  }
0x4b: {  	v0 =	vadd.s32 s24, v0  }
0x4c: {  	[tilespmem:s1+$0x7050] =	vst v0  }
0x4d: {  	v0 =	vld [tilespmem:s0+$0x60];
	_ =	sdelay $0x4  }
0x4e: {  	v0 =	vadd.s32 s24, v0  }
0x4f: {  	[tilespmem:s1+$0x7060] =	vst v0  }
0x50: {  	v0 =	vld [tilespmem:s0+$0x70];
	_ =	sdelay $0x4  }
0x51: {  	v0 =	vadd.s32 s24, v0  }
0x52: {  	[tilespmem:s1+$0x7070] =	vst v0  }
0x53: {  	v0 =	vld [tilespmem:s0+$0x400];
	_ =	sdelay $0x4  }
0x54: {  	v0 =	vadd.s32 s24, v0  }
0x55: {  	[tilespmem:s1+$0x7080] =	vst v0  }
0x56: {  	v0 =	vld [tilespmem:s0+$0x410];
	_ =	sdelay $0x4  }
0x57: {  	v0 =	vadd.s32 s24, v0  }
0x58: {  	[tilespmem:s1+$0x7090] =	vst v0  }
0x59: {  	v0 =	vld [tilespmem:s0+$0x420];
	_ =	sdelay $0x4  }
0x5a: {  	v0 =	vadd.s32 s24, v0  }
0x5b: {  	[tilespmem:s1+$0x70A0] =	vst v0  }
0x5c: {  	v0 =	vld [tilespmem:s0+$0x430];
	_ =	sdelay $0x4  }
0x5d: {  	v0 =	vadd.s32 s24, v0  }
0x5e: {  	[tilespmem:s1+$0x70B0] =	vst v0  }
0x5f: {  	v0 =	vld [tilespmem:s0+$0x440];
	_ =	sdelay $0x4  }
0x60: {  	v0 =	vadd.s32 s24, v0  }
0x61: {  	[tilespmem:s1+$0x70C0] =	vst v0  }
0x62: {  	v0 =	vld [tilespmem:s0+$0x450];
	_ =	sdelay $0x4  }
0x63: {  	v0 =	vadd.s32 s24, v0  }
0x64: {  	[tilespmem:s1+$0x70D0] =	vst v0  }
0x65: {  	v0 =	vld [tilespmem:s0+$0x460];
	_ =	sdelay $0x4  }
0x66: {  	v0 =	vadd.s32 s24, v0  }
0x67: {  	[tilespmem:s1+$0x70E0] =	vst v0  }
0x68: {  	v0 =	vld [tilespmem:s0+$0x470];
	_ =	sdelay $0x4  }
0x69: {  	v0 =	vadd.s32 s24, v0  }
0x6a: {  	[tilespmem:s1+$0x70F0] =	vst v0  }
0x6b: {  	v0 =	vld [tilespmem:s0+$0x800];
	_ =	sdelay $0x4  }
0x6c: {  	v0 =	vadd.s32 s24, v0  }
0x6d: {  	[tilespmem:s1+$0x7100] =	vst v0  }
0x6e: {  	v0 =	vld [tilespmem:s0+$0x810];
	_ =	sdelay $0x4  }
0x6f: {  	v0 =	vadd.s32 s24, v0  }
0x70: {  	[tilespmem:s1+$0x7110] =	vst v0  }
0x71: {  	v0 =	vld [tilespmem:s0+$0x820];
	_ =	sdelay $0x4  }
0x72: {  	v0 =	vadd.s32 s24, v0  }
0x73: {  	[tilespmem:s1+$0x7120] =	vst v0  }
0x74: {  	v0 =	vld [tilespmem:s0+$0x830];
	_ =	sdelay $0x4  }
0x75: {  	v0 =	vadd.s32 s24, v0  }
0x76: {  	[tilespmem:s1+$0x7130] =	vst v0  }
0x77: {  	v0 =	vld [tilespmem:s0+$0x840];
	_ =	sdelay $0x4  }
0x78: {  	v0 =	vadd.s32 s24, v0  }
0x79: {  	[tilespmem:s1+$0x7140] =	vst v0  }
0x7a: {  	v0 =	vld [tilespmem:s0+$0x850];
	_ =	sdelay $0x4  }
0x7b: {  	v0 =	vadd.s32 s24, v0  }
0x7c: {  	[tilespmem:s1+$0x7150] =	vst v0  }
0x7d: {  	v0 =	vld [tilespmem:s0+$0x860];
	_ =	sdelay $0x4  }
0x7e: {  	v0 =	vadd.s32 s24, v0  }
0x7f: {  	[tilespmem:s1+$0x7160] =	vst v0  }
0x80: {  	v0 =	vld [tilespmem:s0+$0x870];
	_ =	sdelay $0x4  }
0x81: {  	v0 =	vadd.s32 s24, v0  }
0x82: {  	[tilespmem:s1+$0x7170] =	vst v0  }
0x83: {  	v0 =	vld [tilespmem:s0+$0xC00];
	_ =	sdelay $0x4  }
0x84: {  	v0 =	vadd.s32 s24, v0  }
0x85: {  	[tilespmem:s1+$0x7180] =	vst v0  }
0x86: {  	v0 =	vld [tilespmem:s0+$0xC10];
	_ =	sdelay $0x4  }
0x87: {  	v0 =	vadd.s32 s24, v0  }
0x88: {  	[tilespmem:s1+$0x7190] =	vst v0  }
0x89: {  	v0 =	vld [tilespmem:s0+$0xC20];
	_ =	sdelay $0x4  }
0x8a: {  	v0 =	vadd.s32 s24, v0  }
0x8b: {  	[tilespmem:s1+$0x71A0] =	vst v0  }
0x8c: {  	v0 =	vld [tilespmem:s0+$0xC30];
	_ =	sdelay $0x4  }
0x8d: {  	v0 =	vadd.s32 s24, v0  }
0x8e: {  	[tilespmem:s1+$0x71B0] =	vst v0  }
0x8f: {  	v0 =	vld [tilespmem:s0+$0xC40];
	_ =	sdelay $0x4  }
0x90: {  	v0 =	vadd.s32 s24, v0  }
0x91: {  	[tilespmem:s1+$0x71C0] =	vst v0  }
0x92: {  	v0 =	vld [tilespmem:s0+$0xC50];
	_ =	sdelay $0x4  }
0x93: {  	v0 =	vadd.s32 s24, v0  }
0x94: {  	[tilespmem:s1+$0x71D0] =	vst v0  }
0x95: {  	v0 =	vld [tilespmem:s0+$0xC60];
	_ =	sdelay $0x4  }
0x96: {  	v0 =	vadd.s32 s24, v0  }
0x97: {  	[tilespmem:s1+$0x71E0] =	vst v0  }
0x98: {  	v0 =	vld [tilespmem:s0+$0xC70];
	_ =	sdelay $0x4  }
0x99: {  	v0 =	vadd.s32 s24, v0  }
0x9a: {  	s26 =	sor.u32 $0x7000, s1;
	s31 =	sadd.s32 $0x7400, s0;
	[tilespmem:s1+$0x71F0] =	vst v0  }
0x9b: {  	[tilespmem:s31], [sflag:$0x1] =	stream.indirect.gather [spmem:s2], $0x1, s26, s19, $0xb8;
	[tilespmem:$0x1B340] =	vst v63  }
0x9c: {  	s14 =	sor.u32 $0x7080, s1;
	s15 =	sadd.s32 $0x7800, s0  }
0x9d: {  	[tilespmem:s15], [sflag:$0x1] =	stream.indirect.gather [spmem:s2], $0x1, s14, s19, $0xb8;
	[tilespmem:$0x1B340] =	vst v63  }
0x9e: {  	s26 =	sor.u32 $0x7100, s1;
	s31 =	sadd.s32 $0x7C00, s0  }
0x9f: {  	[tilespmem:s31], [sflag:$0x1] =	stream.indirect.gather [spmem:s2], $0x1, s26, s19, $0xb8;
	[tilespmem:$0x1B340] =	vst v63  }
0xa0: {  	p2 =	por $0x1, $0x1;
	s1 =	sor.u32 $0x7180, s1;
	s0 =	sor.u32 $0x8000, s0  }
0xa1: {  	[tilespmem:s0], [sflag:$0x1] =	stream.indirect.gather [spmem:s2], $0x1, s1, s19, $0xb8;
	[tilespmem:$0x1B340] =	vst v63  }
0xa2: {  	s1 =	simm.s32 @!p2 $0x1  }
0xa3: {  	_ =	swait.ge @!p2 [sflag:s1], $0x80  }
0xa4: {  	[sflag:s1] =	ssyncset.done @!p2 $0x0  }
0xa5: {  	[sflag:s1] =	ssyncadd.s32 @!p2 $0xFFFFFF80  }
0xa6: {  	_ =	swait.ge @!p2 [sflag:s1], $0x80  }
0xa7: {  	[sflag:s1] =	ssyncset.done @!p2 $0x0  }
0xa8: {  	[sflag:s1] =	ssyncadd.s32 @!p2 $0xFFFFFF80  }
0xa9: {  	_ =	swait.ge @!p2 [sflag:s1], $0x80  }
0xaa: {  	s28 =	simm.s32 $0x100;
	s30 =	simm.s32 $0x400;
	[sflag:s1] =	ssyncset.done @!p2 $0x0  }
0xab: {  	s25 =	simm.s32 $0x39AA;
	s26 =	simm.s32 $0x200;
	[sflag:s1] =	ssyncadd.s32 @!p2 $0xFFFFFF80  }
0xac: {  	s24 =	simm.s32 $0x80;
	s29 =	sand.u32 $0x7000, s26;
	_ =	swait.ge @!p2 [sflag:s1], $0x80  }
.LBB2_7:
0xad: {  	s14 =	sand.u32 $0x7000, s30  }
0xae: {  	s0 =	sand.u32 $0x380, s24;
	[sflag:s1] =	ssyncset.done @!p2 $0x0;
	s31 =	smov.u32 s28  }
0xaf: {  	s28 =	sadd.s32 $0x80, s28;
	s0 =	sor.u32 s0, s29;
	[sflag:s1] =	ssyncadd.s32 @!p2 $0xFFFFFF80  }
0xb0: {  	p1 =	sne.s32 s28, $0x1900;
	s29 =	smov.u32 s14;
	v0 =	vld [tilespmem:s0+$0x0];
	_ =	sdelay $0x4  }
0xb1: {  	s1 =	sand.u32 $0x200, s26;
	s26 =	smov.u32 s30;
	v0 =	vadd.s32 s25, v0  }
0xb2: {  	[tilespmem:s1+$0x7000] =	vst v0  }
0xb3: {  	v0 =	vld [tilespmem:s0+$0x10];
	_ =	sdelay $0x4  }
0xb4: {  	v0 =	vadd.s32 s25, v0  }
0xb5: {  	[tilespmem:s1+$0x7010] =	vst v0  }
0xb6: {  	v0 =	vld [tilespmem:s0+$0x20];
	_ =	sdelay $0x4  }
0xb7: {  	v0 =	vadd.s32 s25, v0  }
0xb8: {  	[tilespmem:s1+$0x7020] =	vst v0  }
0xb9: {  	v0 =	vld [tilespmem:s0+$0x30];
	_ =	sdelay $0x4  }
0xba: {  	v0 =	vadd.s32 s25, v0  }
0xbb: {  	[tilespmem:s1+$0x7030] =	vst v0  }
0xbc: {  	v0 =	vld [tilespmem:s0+$0x40];
	_ =	sdelay $0x4  }
0xbd: {  	v0 =	vadd.s32 s25, v0  }
0xbe: {  	[tilespmem:s1+$0x7040] =	vst v0  }
0xbf: {  	v0 =	vld [tilespmem:s0+$0x50];
	_ =	sdelay $0x4  }
0xc0: {  	v0 =	vadd.s32 s25, v0  }
0xc1: {  	[tilespmem:s1+$0x7050] =	vst v0  }
0xc2: {  	v0 =	vld [tilespmem:s0+$0x60];
	_ =	sdelay $0x4  }
0xc3: {  	v0 =	vadd.s32 s25, v0  }
0xc4: {  	[tilespmem:s1+$0x7060] =	vst v0  }
0xc5: {  	v0 =	vld [tilespmem:s0+$0x70];
	_ =	sdelay $0x4  }
0xc6: {  	v0 =	vadd.s32 s25, v0  }
0xc7: {  	[tilespmem:s1+$0x7070] =	vst v0  }
0xc8: {  	v0 =	vld [tilespmem:s0+$0x400];
	_ =	sdelay $0x4  }
0xc9: {  	v0 =	vadd.s32 s25, v0  }
0xca: {  	[tilespmem:s1+$0x7080] =	vst v0  }
0xcb: {  	v0 =	vld [tilespmem:s0+$0x410];
	_ =	sdelay $0x4  }
0xcc: {  	v0 =	vadd.s32 s25, v0  }
0xcd: {  	[tilespmem:s1+$0x7090] =	vst v0  }
0xce: {  	v0 =	vld [tilespmem:s0+$0x420];
	_ =	sdelay $0x4  }
0xcf: {  	v0 =	vadd.s32 s25, v0  }
0xd0: {  	[tilespmem:s1+$0x70A0] =	vst v0  }
0xd1: {  	v0 =	vld [tilespmem:s0+$0x430];
	_ =	sdelay $0x4  }
0xd2: {  	v0 =	vadd.s32 s25, v0  }
0xd3: {  	[tilespmem:s1+$0x70B0] =	vst v0  }
0xd4: {  	v0 =	vld [tilespmem:s0+$0x440];
	_ =	sdelay $0x4  }
0xd5: {  	v0 =	vadd.s32 s25, v0  }
0xd6: {  	[tilespmem:s1+$0x70C0] =	vst v0  }
0xd7: {  	v0 =	vld [tilespmem:s0+$0x450];
	_ =	sdelay $0x4  }
0xd8: {  	v0 =	vadd.s32 s25, v0  }
0xd9: {  	[tilespmem:s1+$0x70D0] =	vst v0  }
0xda: {  	v0 =	vld [tilespmem:s0+$0x460];
	_ =	sdelay $0x4  }
0xdb: {  	v0 =	vadd.s32 s25, v0  }
0xdc: {  	[tilespmem:s1+$0x70E0] =	vst v0  }
0xdd: {  	v0 =	vld [tilespmem:s0+$0x470];
	_ =	sdelay $0x4  }
0xde: {  	v0 =	vadd.s32 s25, v0  }
0xdf: {  	[tilespmem:s1+$0x70F0] =	vst v0  }
0xe0: {  	v0 =	vld [tilespmem:s0+$0x800];
	_ =	sdelay $0x4  }
0xe1: {  	v0 =	vadd.s32 s25, v0  }
0xe2: {  	[tilespmem:s1+$0x7100] =	vst v0  }
0xe3: {  	v0 =	vld [tilespmem:s0+$0x810];
	_ =	sdelay $0x4  }
0xe4: {  	v0 =	vadd.s32 s25, v0  }
0xe5: {  	[tilespmem:s1+$0x7110] =	vst v0  }
0xe6: {  	v0 =	vld [tilespmem:s0+$0x820];
	_ =	sdelay $0x4  }
0xe7: {  	v0 =	vadd.s32 s25, v0  }
0xe8: {  	[tilespmem:s1+$0x7120] =	vst v0  }
0xe9: {  	v0 =	vld [tilespmem:s0+$0x830];
	_ =	sdelay $0x4  }
0xea: {  	v0 =	vadd.s32 s25, v0  }
0xeb: {  	[tilespmem:s1+$0x7130] =	vst v0  }
0xec: {  	v0 =	vld [tilespmem:s0+$0x840];
	_ =	sdelay $0x4  }
0xed: {  	v0 =	vadd.s32 s25, v0  }
0xee: {  	[tilespmem:s1+$0x7140] =	vst v0  }
0xef: {  	v0 =	vld [tilespmem:s0+$0x850];
	_ =	sdelay $0x4  }
0xf0: {  	v0 =	vadd.s32 s25, v0  }
0xf1: {  	[tilespmem:s1+$0x7150] =	vst v0  }
0xf2: {  	v0 =	vld [tilespmem:s0+$0x860];
	_ =	sdelay $0x4  }
0xf3: {  	v0 =	vadd.s32 s25, v0  }
0xf4: {  	[tilespmem:s1+$0x7160] =	vst v0  }
0xf5: {  	v0 =	vld [tilespmem:s0+$0x870];
	_ =	sdelay $0x4  }
0xf6: {  	v0 =	vadd.s32 s25, v0  }
0xf7: {  	[tilespmem:s1+$0x7170] =	vst v0  }
0xf8: {  	v0 =	vld [tilespmem:s0+$0xC00];
	_ =	sdelay $0x4  }
0xf9: {  	v0 =	vadd.s32 s25, v0  }
0xfa: {  	[tilespmem:s1+$0x7180] =	vst v0  }
0xfb: {  	v0 =	vld [tilespmem:s0+$0xC10];
	_ =	sdelay $0x4  }
0xfc: {  	v0 =	vadd.s32 s25, v0  }
0xfd: {  	[tilespmem:s1+$0x7190] =	vst v0  }
0xfe: {  	v0 =	vld [tilespmem:s0+$0xC20];
	_ =	sdelay $0x4  }
0xff: {  	v0 =	vadd.s32 s25, v0  }
0x100: {  	[tilespmem:s1+$0x71A0] =	vst v0  }
0x101: {  	v0 =	vld [tilespmem:s0+$0xC30];
	_ =	sdelay $0x4  }
0x102: {  	v0 =	vadd.s32 s25, v0  }
0x103: {  	[tilespmem:s1+$0x71B0] =	vst v0  }
0x104: {  	v0 =	vld [tilespmem:s0+$0xC40];
	_ =	sdelay $0x4  }
0x105: {  	v0 =	vadd.s32 s25, v0  }
0x106: {  	[tilespmem:s1+$0x71C0] =	vst v0  }
0x107: {  	v0 =	vld [tilespmem:s0+$0xC50];
	_ =	sdelay $0x4  }
0x108: {  	v0 =	vadd.s32 s25, v0  }
0x109: {  	[tilespmem:s1+$0x71D0] =	vst v0  }
0x10a: {  	v0 =	vld [tilespmem:s0+$0xC60];
	_ =	sdelay $0x4  }
0x10b: {  	v0 =	vadd.s32 s25, v0  }
0x10c: {  	[tilespmem:s1+$0x71E0] =	vst v0  }
0x10d: {  	v0 =	vld [tilespmem:s0+$0xC70];
	_ =	sdelay $0x4  }
0x10e: {  	v0 =	vadd.s32 s25, v0  }
0x10f: {  	s14 =	sor.u32 $0x7000, s1;
	s15 =	sadd.s32 $0x7400, s0;
	[tilespmem:s1+$0x71F0] =	vst v0  }
0x110: {  	[tilespmem:s15], [sflag:$0x1] =	stream.indirect.gather [spmem:s2], $0x1, s14, s19, $0xb8;
	[tilespmem:$0x1B340] =	vst v63  }
0x111: {  	s14 =	sor.u32 $0x7080, s1;
	s15 =	sadd.s32 $0x7800, s0  }
0x112: {  	[tilespmem:s15], [sflag:$0x1] =	stream.indirect.gather [spmem:s2], $0x1, s14, s19, $0xb8;
	[tilespmem:$0x1B340] =	vst v63  }
0x113: {  	s14 =	sor.u32 $0x7100, s1;
	s15 =	sadd.s32 $0x7C00, s0  }
0x114: {  	[tilespmem:s15], [sflag:$0x1] =	stream.indirect.gather [spmem:s2], $0x1, s14, s19, $0xb8;
	[tilespmem:$0x1B340] =	vst v63  }
0x115: {  	p2 =	seq.s32 s24, $0x0;
	s1 =	sor.u32 $0x7180, s1;
	s0 =	sor.u32 $0x8000, s0  }
0x116: {  	[tilespmem:s0], [sflag:$0x1] =	stream.indirect.gather [spmem:s2], $0x1, s1, s19, $0xb8;
	[tilespmem:$0x1B340] =	vst v63  }
0x117: {  	s24 =	smov.u32 s31;
	s1 =	simm.s32 @!p2 $0x1  }
0x118: {  	_ =	swait.ge @!p2 [sflag:s1], $0x80  }
0x119: {  	[sflag:s1] =	ssyncset.done @!p2 $0x0  }
0x11a: {  	[sflag:s1] =	ssyncadd.s32 @!p2 $0xFFFFFF80  }
0x11b: {  	_ =	swait.ge @!p2 [sflag:s1], $0x80  }
0x11c: {  	[sflag:s1] =	ssyncset.done @!p2 $0x0  }
.Ltmp3:
0x11d: {  	[sflag:s1] =	ssyncadd.s32 @!p2 $0xFFFFFF80;
	(pc) =	sbr.rel @p1 .LBB2_7-.Ltmp3, $4  }
0x11e: {  	_ =	swait.ge @!p2 [sflag:s1], $0x80  }
0x11f: {  	[sflag:s1] =	ssyncset.done @!p2 $0x0  }
0x120: {  	[sflag:s1] =	ssyncadd.s32 @!p2 $0xFFFFFF80  }
0x121: {  	s30 =	sadd.s32 $0x200, s30;
	s25 =	sadd.s32 $0x39AA, s25;
	_ =	swait.ge @!p2 [sflag:s1], $0x80  }
0x122: {  	s0 =	sand.u32 $0x380, s24;
	[sflag:s1] =	ssyncset.done @!p2 $0x0  }
0x123: {  	s0 =	sor.u32 s0, s29;
	[sflag:s1] =	ssyncadd.s32 @!p2 $0xFFFFFF80  }
0x124: {  	v0 =	vld [tilespmem:s0+$0x0];
	_ =	sdelay $0x4  }
0x125: {  	s26 =	sand.u32 $0x200, s26;
	v0 =	vadd.s32 s25, v0  }
0x126: {  	[tilespmem:s26+$0x7000] =	vst v0  }
0x127: {  	v0 =	vld [tilespmem:s0+$0x10];
	_ =	sdelay $0x4  }
0x128: {  	v0 =	vadd.s32 s25, v0  }
0x129: {  	[tilespmem:s26+$0x7010] =	vst v0  }
0x12a: {  	v0 =	vld [tilespmem:s0+$0x20];
	_ =	sdelay $0x4  }
0x12b: {  	v0 =	vadd.s32 s25, v0  }
0x12c: {  	[tilespmem:s26+$0x7020] =	vst v0  }
0x12d: {  	v0 =	vld [tilespmem:s0+$0x30];
	_ =	sdelay $0x4  }
0x12e: {  	v0 =	vadd.s32 s25, v0  }
0x12f: {  	[tilespmem:s26+$0x7030] =	vst v0  }
0x130: {  	v0 =	vld [tilespmem:s0+$0x40];
	_ =	sdelay $0x4  }
0x131: {  	v0 =	vadd.s32 s25, v0  }
0x132: {  	[tilespmem:s26+$0x7040] =	vst v0  }
0x133: {  	v0 =	vld [tilespmem:s0+$0x50];
	_ =	sdelay $0x4  }
0x134: {  	v0 =	vadd.s32 s25, v0  }
0x135: {  	[tilespmem:s26+$0x7050] =	vst v0  }
0x136: {  	v0 =	vld [tilespmem:s0+$0x60];
	_ =	sdelay $0x4  }
0x137: {  	v0 =	vadd.s32 s25, v0  }
0x138: {  	[tilespmem:s26+$0x7060] =	vst v0  }
0x139: {  	v0 =	vld [tilespmem:s0+$0x70];
	_ =	sdelay $0x4  }
0x13a: {  	v0 =	vadd.s32 s25, v0  }
0x13b: {  	[tilespmem:s26+$0x7070] =	vst v0  }
0x13c: {  	v0 =	vld [tilespmem:s0+$0x400];
	_ =	sdelay $0x4  }
0x13d: {  	v0 =	vadd.s32 s25, v0  }
0x13e: {  	[tilespmem:s26+$0x7080] =	vst v0  }
0x13f: {  	v0 =	vld [tilespmem:s0+$0x410];
	_ =	sdelay $0x4  }
0x140: {  	v0 =	vadd.s32 s25, v0  }
0x141: {  	[tilespmem:s26+$0x7090] =	vst v0  }
0x142: {  	v0 =	vld [tilespmem:s0+$0x420];
	_ =	sdelay $0x4  }
0x143: {  	v0 =	vadd.s32 s25, v0  }
0x144: {  	[tilespmem:s26+$0x70A0] =	vst v0  }
0x145: {  	v0 =	vld [tilespmem:s0+$0x430];
	_ =	sdelay $0x4  }
0x146: {  	v0 =	vadd.s32 s25, v0  }
0x147: {  	[tilespmem:s26+$0x70B0] =	vst v0  }
0x148: {  	v0 =	vld [tilespmem:s0+$0x440];
	_ =	sdelay $0x4  }
0x149: {  	v0 =	vadd.s32 s25, v0  }
0x14a: {  	[tilespmem:s26+$0x70C0] =	vst v0  }
0x14b: {  	v0 =	vld [tilespmem:s0+$0x450];
	_ =	sdelay $0x4  }
0x14c: {  	v0 =	vadd.s32 s25, v0  }
0x14d: {  	[tilespmem:s26+$0x70D0] =	vst v0  }
0x14e: {  	v0 =	vld [tilespmem:s0+$0x460];
	_ =	sdelay $0x4  }
0x14f: {  	v0 =	vadd.s32 s25, v0  }
0x150: {  	[tilespmem:s26+$0x70E0] =	vst v0  }
0x151: {  	v0 =	vld [tilespmem:s0+$0x470];
	_ =	sdelay $0x4  }
0x152: {  	v0 =	vadd.s32 s25, v0  }
0x153: {  	[tilespmem:s26+$0x70F0] =	vst v0  }
0x154: {  	v0 =	vld [tilespmem:s0+$0x800];
	_ =	sdelay $0x4  }
0x155: {  	v0 =	vadd.s32 s25, v0  }
0x156: {  	[tilespmem:s26+$0x7100] =	vst v0  }
0x157: {  	v0 =	vld [tilespmem:s0+$0x810];
	_ =	sdelay $0x4  }
0x158: {  	v0 =	vadd.s32 s25, v0  }
0x159: {  	[tilespmem:s26+$0x7110] =	vst v0  }
0x15a: {  	v0 =	vld [tilespmem:s0+$0x820];
	_ =	sdelay $0x4  }
0x15b: {  	v0 =	vadd.s32 s25, v0  }
0x15c: {  	[tilespmem:s26+$0x7120] =	vst v0  }
0x15d: {  	v0 =	vld [tilespmem:s0+$0x830];
	_ =	sdelay $0x4  }
0x15e: {  	v0 =	vadd.s32 s25, v0  }
0x15f: {  	[tilespmem:s26+$0x7130] =	vst v0  }
0x160: {  	v0 =	vld [tilespmem:s0+$0x840];
	_ =	sdelay $0x4  }
0x161: {  	v0 =	vadd.s32 s25, v0  }
0x162: {  	[tilespmem:s26+$0x7140] =	vst v0  }
0x163: {  	v0 =	vld [tilespmem:s0+$0x850];
	_ =	sdelay $0x4  }
0x164: {  	v0 =	vadd.s32 s25, v0  }
0x165: {  	[tilespmem:s26+$0x7150] =	vst v0  }
0x166: {  	v0 =	vld [tilespmem:s0+$0x860];
	_ =	sdelay $0x4  }
0x167: {  	v0 =	vadd.s32 s25, v0  }
0x168: {  	[tilespmem:s26+$0x7160] =	vst v0  }
0x169: {  	v0 =	vld [tilespmem:s0+$0x870];
	_ =	sdelay $0x4  }
0x16a: {  	v0 =	vadd.s32 s25, v0  }
0x16b: {  	[tilespmem:s26+$0x7170] =	vst v0  }
0x16c: {  	v0 =	vld [tilespmem:s0+$0xC00];
	_ =	sdelay $0x4  }
0x16d: {  	v0 =	vadd.s32 s25, v0  }
0x16e: {  	[tilespmem:s26+$0x7180] =	vst v0  }
0x16f: {  	v0 =	vld [tilespmem:s0+$0xC10];
	_ =	sdelay $0x4  }
0x170: {  	v0 =	vadd.s32 s25, v0  }
0x171: {  	[tilespmem:s26+$0x7190] =	vst v0  }
0x172: {  	v0 =	vld [tilespmem:s0+$0xC20];
	_ =	sdelay $0x4  }
0x173: {  	v0 =	vadd.s32 s25, v0  }
0x174: {  	[tilespmem:s26+$0x71A0] =	vst v0  }
0x175: {  	v0 =	vld [tilespmem:s0+$0xC30];
	_ =	sdelay $0x4  }
0x176: {  	v0 =	vadd.s32 s25, v0  }
0x177: {  	[tilespmem:s26+$0x71B0] =	vst v0  }
0x178: {  	v0 =	vld [tilespmem:s0+$0xC40];
	_ =	sdelay $0x4  }
0x179: {  	v0 =	vadd.s32 s25, v0  }
0x17a: {  	[tilespmem:s26+$0x71C0] =	vst v0  }
0x17b: {  	v0 =	vld [tilespmem:s0+$0xC50];
	_ =	sdelay $0x4  }
0x17c: {  	v0 =	vadd.s32 s25, v0  }
0x17d: {  	[tilespmem:s26+$0x71D0] =	vst v0  }
0x17e: {  	v0 =	vld [tilespmem:s0+$0xC60];
	_ =	sdelay $0x4  }
0x17f: {  	v0 =	vadd.s32 s25, v0  }
0x180: {  	[tilespmem:s26+$0x71E0] =	vst v0  }
0x181: {  	v0 =	vld [tilespmem:s0+$0xC70];
	_ =	sdelay $0x4  }
0x182: {  	v0 =	vadd.s32 s25, v0  }
0x183: {  	s14 =	sor.u32 $0x7000, s26;
	s15 =	sadd.s32 $0x7400, s0;
	[tilespmem:s26+$0x71F0] =	vst v0  }
0x184: {  	[tilespmem:s15], [sflag:$0x1] =	stream.indirect.gather [spmem:s2], $0x1, s14, s19, $0xb8;
	[tilespmem:$0x1B340] =	vst v63  }
0x185: {  	s28 =	sor.u32 $0x7080, s26;
	s29 =	sadd.s32 $0x7800, s0  }
0x186: {  	[tilespmem:s29], [sflag:$0x1] =	stream.indirect.gather [spmem:s2], $0x1, s28, s19, $0xb8;
	[tilespmem:$0x1B340] =	vst v63  }
0x187: {  	s30 =	sor.u32 $0x7100, s26;
	s31 =	sadd.s32 $0x7C00, s0  }
0x188: {  	[tilespmem:s31], [sflag:$0x1] =	stream.indirect.gather [spmem:s2], $0x1, s30, s19, $0xb8;
	[tilespmem:$0x1B340] =	vst v63  }
0x189: {  	p1 =	seq.s32 s24, $0x0;
	s1 =	sor.u32 $0x7180, s26;
	s0 =	sor.u32 $0x8000, s0  }
0x18a: {  	[tilespmem:s0], [sflag:$0x1] =	stream.indirect.gather [spmem:s2], $0x1, s1, s19, $0xb8;
	[tilespmem:$0x1B340] =	vst v63  }
0x18b: {  	s0 =	simm.s32 @!p1 $0x1  }
0x18c: {  	_ =	swait.ge @!p1 [sflag:s0], $0x80  }
0x18d: {  	[sflag:s0] =	ssyncset.done @!p1 $0x0  }
0x18e: {  	[sflag:s0] =	ssyncadd.s32 @!p1 $0xFFFFFF80  }
0x18f: {  	_ =	swait.ge @!p1 [sflag:s0], $0x80  }
0x190: {  	[sflag:s0] =	ssyncset.done @!p1 $0x0  }
0x191: {  	[sflag:s0] =	ssyncadd.s32 @!p1 $0xFFFFFF80  }
0x192: {  	_ =	swait.ge @!p1 [sflag:s0], $0x80  }
0x193: {  	[sflag:s0] =	ssyncset.done @!p1 $0x0  }
0x194: {  	[sflag:s0] =	ssyncadd.s32 @!p1 $0xFFFFFF80  }
0x195: {  	_ =	swait.ge @!p1 [sflag:s0], $0x80  }
0x196: {  	[sflag:s0] =	ssyncset.done @!p1 $0x0  }
0x197: {  	[sflag:s0] =	ssyncadd.s32 @!p1 $0xFFFFFF80  }
0x198: {  	_ =	swait.ge [sflag:s20], $0x80  }
0x199: {  	[sflag:s20] =	ssyncset.done $0x0  }
0x19a: {  	[sflag:s20] =	ssyncadd.s32 $0xFFFFFF80  }
0x19b: {  	_ =	swait.ge [sflag:s20], $0x80  }
0x19c: {  	[sflag:s20] =	ssyncset.done $0x0  }
0x19d: {  	[sflag:s20] =	ssyncadd.s32 $0xFFFFFF80  }
0x19e: {  	_ =	swait.ge [sflag:s20], $0x80  }
0x19f: {  	[sflag:s20] =	ssyncset.done $0x0  }
0x1a0: {  	[sflag:s20] =	ssyncadd.s32 $0xFFFFFF80  }
0x1a1: {  	_ =	swait.ge [sflag:s20], $0x80  }
0x1a2: {  	[sflag:s20] =	ssyncset.done $0x0  }
0x1a3: {  	s0 =	simm.s32 $0x0;
	[sflag:s20] =	ssyncadd.s32 $0xFFFFFF80  }
.LBB2_9:
0x1a4: {  	s1 =	sshll.u32 s0, $0x4  }
0x1a5: {  	s14 =	sshll.u32 s0, $0x7;
	s25 =	simm.s32 $0x0;
	s15 =	sand.u32 $0x70, s1  }
0x1a6: {  	s26 =	simm.s32 $0x800;
	s28 =	simm.s32 $0x200;
	s14 =	sand.u32 $0xC00, s14;
	v0 =	vmov s15  }
0x1a7: {  	s24 =	sadd.s32 $0x7400, s14;
	s15 =	sand.u32 $0x7000, s25;
	s25 =	simm.s32 $0x0  }
0x1a8: {  	s29 =	simm.s32 $0x400;
	s25 =	sand.u32 $0x380, s25;
	s15 =	sadd.s32 s15, s24  }
0x1a9: {  	s31 =	sand.u32 $0xF000, s28;
	s28 =	simm.s32 $0x80;
	s15 =	sadd.s32 s25, s15  }
0x1aa: {  	s25 =	sadd.s32 s31, s24;
	s31 =	sand.u32 $0xF000, s29;
	s29 =	simm.s32 $0x600  }
0x1ab: {  	s30 =	simm.s32 $0x180;
	s28 =	sand.u32 $0x380, s28;
	s29 =	sand.u32 $0xF000, s29;
	v3 =	vld.idx.msk [tilespmem:v0+s15+$0x0 ss:$0x1], $0xffff  }
0x1ac: {  	s29 =	sadd.s32 s29, s24;
	s15 =	sadd.s32 s28, s25;
	s28 =	simm.s32 $0x100  }
0x1ad: {  	s25 =	sadd.s32 s31, s24;
	s31 =	sand.u32 $0x380, s30;
	s28 =	sand.u32 $0x380, s28;
	v1 =	vld.idx.msk [tilespmem:v0+s15+$0x0 ss:$0x1], $0xffff  }
0x1ae: {  	s14 =	simm.s32 $0x200;
	s15 =	sadd.s32 s31, s29;
	s28 =	sadd.s32 s28, s25  }
0x1af: {  	v4 =	vimm.f32 $0.0e+00;
	s29 =	sand.u32 $0x380, s14;
	s25 =	simm.s32 $0x0;
	v2 =	vld.idx.msk [tilespmem:v0+s28+$0x0 ss:$0x1], $0xffff;
	s28 =	sand.u32 $0xF000, s26  }
0x1b0: {  	v5 =	vimm.f32 $0.0e+00;
	s26 =	simm.s32 $0x480;
	s30 =	sadd.s32 s28, s24;
	s28 =	simm.s32 $0x1200;
	v6 =	vshll.u32 v3, $0x10;
	v7 =	vand.u32 $0xFFFF0000, v3;
	v3 =	vld.idx.msk [tilespmem:v0+s15+$0x0 ss:$0x1], $0xffff  }
.LBB2_10:
0x1b1: {  	s14 =	sadd.s32 $0xFFFFF800, s28;
	s25 =	sadd.s32 $0x5, s25;
	v4 =	vadd.f32 v6, v4;
	v5 =	vadd.f32 v7, v5;
	s15 =	sadd.s32 s29, s30  }
0x1b2: {  	s29 =	sadd.s32 $0xFFFFFE00, s26;
	v6 =	vshll.u32 v1, $0x10;
	v1 =	vand.u32 $0xFFFF0000, v1;
	s14 =	sand.u32 $0x7000, s14;
	p1 =	slt.u32 s25, $0x2D;
	v7 =	vld.idx.msk [tilespmem:v0+s15+$0x0 ss:$0x1], $0xffff  }
0x1b3: {  	s15 =	sand.u32 $0x380, s29;
	s29 =	sadd.s32 $0xFFFFFA00, s28;
	s14 =	sadd.s32 s14, s24;
	v4 =	vadd.f32 v6, v4;
	v1 =	vadd.f32 v1, v5  }
0x1b4: {  	v5 =	vshll.u32 v2, $0x10;
	v2 =	vand.u32 $0xFFFF0000, v2;
	s14 =	sadd.s32 s15, s14;
	s15 =	sand.u32 $0xF000, s29;
	s29 =	sadd.s32 $0xFFFFFE80, s26  }
0x1b5: {  	v8 =	vld.idx.msk [tilespmem:v0+s14+$0x0 ss:$0x1], $0xffff;
	s14 =	sand.u32 $0x380, s29;
	s15 =	sadd.s32 s15, s24;
	s29 =	sadd.s32 $0xFFFFFC00, s28;
	v4 =	vadd.f32 v5, v4;
	v2 =	vadd.f32 v2, v1  }
0x1b6: {  	v5 =	vshll.u32 v3, $0x10;
	v3 =	vand.u32 $0xFFFF0000, v3;
	s14 =	sadd.s32 s14, s15;
	s15 =	sand.u32 $0xF000, s29;
	s29 =	sadd.s32 $0xFFFFFF00, s26  }
0x1b7: {  	v1 =	vld.idx.msk [tilespmem:v0+s14+$0x0 ss:$0x1], $0xffff;
	s14 =	sand.u32 $0x380, s29  }
.Ltmp4:
0x1b8: {  	s15 =	sadd.s32 s15, s24;
	s29 =	sadd.s32 $0xFFFFFE00, s28;
	v4 =	vadd.f32 v5, v4;
	v3 =	vadd.f32 v3, v2;
	(pc) =	sbr.rel @p1 .LBB2_10-.Ltmp4, $4  }
0x1b9: {  	v5 =	vshll.u32 v7, $0x10;
	v6 =	vand.u32 $0xFFFF0000, v7;
	s14 =	sadd.s32 s14, s15;
	s15 =	sand.u32 $0xF000, s29;
	s29 =	sadd.s32 $0xFFFFFF80, s26  }
0x1ba: {  	v2 =	vld.idx.msk [tilespmem:v0+s14+$0x0 ss:$0x1], $0xffff;
	s14 =	sand.u32 $0x380, s29;
	s15 =	sadd.s32 s15, s24;
	v4 =	vadd.f32 v5, v4;
	v5 =	vadd.f32 v6, v3;
	s29 =	smov.u32 s26  }
0x1bb: {  	s26 =	sadd.s32 $0x280, s26;
	s14 =	sadd.s32 s14, s15;
	s15 =	sand.u32 $0xF000, s28  }
0x1bc: {  	v6 =	vshll.u32 v8, $0x10;
	v7 =	vand.u32 $0xFFFF0000, v8;
	s29 =	sand.u32 $0x380, s29;
	s28 =	sadd.s32 $0xA00, s28;
	v3 =	vld.idx.msk [tilespmem:v0+s14+$0x0 ss:$0x1], $0xffff;
	s30 =	sadd.s32 s15, s24  }
0x1bd: {  	_ =	sdelay $0x1  }
0x1be: {  	v4 =	vadd.f32 v6, v4  }
0x1bf: {  	v5 =	vadd.f32 v7, v5;
	s14 =	sadd.s32 s29, s30;
	v57 =	vshll.u32 v1, $0x10  }
0x1c0: {  	v58 =	vand.u32 $0xFFFF0000, v1;
	v0 =	vld.idx.msk [tilespmem:v0+s14+$0x0 ss:$0x1], $0xffff;
	v4 =	vadd.f32 v57, v4  }
0x1c1: {  	v1 =	vadd.f32 v58, v5;
	v59 =	vshll.u32 v2, $0x10  }
0x1c2: {  	v60 =	vand.u32 $0xFFFF0000, v2;
	v4 =	vadd.f32 v59, v4  }
0x1c3: {  	s0 =	sadd.s32 $0x1, s0;
	v1 =	vadd.f32 v60, v1;
	v61 =	vshll.u32 v3, $0x10  }
0x1c4: {  	p1 =	sne.s32 s0, $0x20;
	v62 =	vand.u32 $0xFFFF0000, v3;
	v2 =	vadd.f32 v61, v4  }
.Ltmp5:
0x1c5: {  	v1 =	vadd.f32 v62, v1;
	v63 =	vshll.u32 v0, $0x10;
	(pc) =	sbr.rel @p1 .LBB2_9-.Ltmp5, $4  }
0x1c6: {  	v0 =	vand.u32 $0xFFFF0000, v0;
	v2 =	vadd.f32 v63, v2  }
0x1c7: {  	v0 =	vadd.f32 v0, v1  }
0x1c8: {  	[tilespmem:s1+$0xE400] =	vst v2  }
0x1c9: {  	[tilespmem:s1+$0xE600] =	vst v0  }
0x1ca: {  	[hbm4b:s10+s3] =	stream.linear.scatter [tilespmem:s21], [sflag:$0x3], $0x200, $0x38;
	[tilespmem:$0x1B340] =	vst v63  }
0x1cb: {  	_ =	swait.ge [sflag:s17], $0x200  }
0x1cc: {  	s23 =	sadd.s32 $0x1, s23;
	[sflag:s17] =	ssyncset.done $0x0  }
0x1cd: {  	p1 =	sne.s32 s23, s12;
	[sflag:s17] =	ssyncadd.s32 $0xFFFFFE00  }
0x1ce: {  	[hbm4b:s11+s3] =	stream.linear.scatter [tilespmem:s22], [sflag:$0x3], $0x200, $0x38;
	[tilespmem:$0x1B340] =	vst v63  }
.Ltmp6:
0x1cf: {  	_ = 	snop;
	(pc) =	sbr.rel @p1 .LBB2_1-.Ltmp6, $4  }
.Ltmp7:
0x1d0: {  	_ = 	snop;
	(pc) =	sbr.rel @!p1 .LBB2_13-.Ltmp7, $4  }
0x1d1: {  	_ =	swait.ge [sflag:s17], $0x200  }
0x1d2: {  	[sflag:s17] =	ssyncset.done $0x0  }
0x1d3: {  	[sflag:s17] =	ssyncadd.s32 $0xFFFFFE00  }
0x1d4: {  	_ = 	snop  }
.LBB2_2:
.Ltmp8:
0x1d5: {  	(pc) =	sbr.rel .LBB2_6-.Ltmp8, $2  }
0x1d6: {  	_ =	sdelay $0x2  }
0x1d7: {  	s0 =	smov.u32 s13  }
.LBB2_4:
.Ltmp9:
0x1d8: {  	(pc) =	sbr.rel .LBB2_6-.Ltmp9, $2  }
0x1d9: {  	_ =	sdelay $0x2  }
0x1da: {  	s0 =	smov.u32 s13  }
.LBB2_13:
0x1db: {  	_ =	sfence.sel $0x180000  }
0x1dc: {  	[bflag:$0x0] =	sbarrier.arrive $0xFFFF  }
0x1dd: {  	_ =	strace $0x90000047  }
0x1de: {  	s0 =	stileid.u32;
	[bflag:$0x2] =	sbarrier.arrive $0xFFFF  }
0x1df: {  	p0 =	sne.s32 s0, $0x0;
	s0 =	rddreg [dreg:$0x2]  }
0x1e0: {  	s0 =	sadd.s32 @!p0 $0x100000, s0  }
0x1e1: {  	[sflag:s0] =	ssyncadd.tile.s32 @!p0 $0x1;
	_ =	shalt  }
.Lfunc_end2:
_tile_overlayer_lowered:
.L_overlay_start_2:
0x1e2: {  	(tag) =	ssettag $0x2  }
0x1e3: {  	s0 =	rddreg [dreg:$0x0];
	s2 =	stileid.u32  }
0x1e4: {  	s1 =	rddreg [dreg:$0x1];
	p0 =	sne.s32 s2, $0x0  }
0x1e5: {  	s3 =	rddreg [dreg:$0x2];
	[bflag:$0x3] =	sbarrier.arrive $0xFFFF;
	s2 =	simm.s32 @!p0 $0x1C03  }
0x1e6: {  	[timem:s3], [sflag:s2] =	dma.local @!p0 [hbm:s0], s1  }
0x1e7: {  	s0 =	simm.s32 @!p0 $0x3  }
0x1e8: {  	_ =	swait.ge @!p0 [sflag:s0], s1  }
0x1e9: {  	s1 =	ssub.s32 @!p0 $0x0, s1;
	[sflag:s0] =	ssyncset.done @!p0 $0x0  }
0x1ea: {  	[sflag:s0] =	ssyncadd.s32 @!p0 s1  }
0x1eb: {  	[bflag:$0x3] =	sbarrier.arrive $0xFFFF  }
0x1ec: {  	_ =	shalt  }

</sc_bundles>
